<compile_context>
chip_gen: v7x
topology: tpu7x:2x2x1
jax: 0.10.2.dev20260603
libtpu: 0.0.44.dev20260713+nightly
codegen_flags: <defaults>
</compile_context>

<pallas_src>
import functools

import jax
import jax.numpy as jnp
from jax import lax
from jax.experimental import pallas as pl
from jax.experimental.pallas import tpu as pltpu
from jax.experimental.pallas import tpu_sc as plsc

_NC = 2
_NS = 16
_NW = _NC * _NS

_L = 16
_BB = 128
_NBUF = 4
_TBUF = 4


@functools.lru_cache(maxsize=None)
def _make_lookup(bsz: int, seq: int, v: int, d: int):
    assert bsz == _NW * _BB and d % 8 == 0
    n_fb = d // 8
    mesh = plsc.VectorSubcoreMesh(core_axis_name="c", subcore_axis_name="s")

    @functools.partial(
        pl.kernel,
        mesh=mesh,
        compiler_params=pltpu.CompilerParams(
            use_tc_tiling_on_sc=False, needs_layout_passes=False
        ),
        out_type=jax.ShapeDtypeStruct((seq, n_fb, _NW, 8, _BB), jnp.float32),
        scratch_types=[
            pltpu.VMEM((seq, _BB), jnp.int32),
            [pltpu.VMEM((_BB, d), jnp.float32) for _ in range(_NBUF)],
            [pltpu.VMEM((d, _BB), jnp.float32) for _ in range(_TBUF)],
            [pltpu.SemaphoreType.DMA for _ in range(_NBUF)],
            [pltpu.SemaphoreType.DMA for _ in range(_TBUF)],
        ],
    )
    def lookup(table2, idx2, out5, idx_v, rows, tbufs, gsem, ssem):
        wid = lax.axis_index("s") * _NC + lax.axis_index("c")
        col = pl.multiple_of(wid * _BB, _BB)

        pltpu.sync_copy(idx2.at[:, pl.ds(col, _BB)], idx_v)

        def fire(l, rb):
            pltpu.async_copy(table2.at[idx_v.at[l]], rows[rb], gsem[rb])

        def wait_gather(rb):
            pltpu.make_async_copy(
                table2.at[idx_v.at[0]], rows[rb], gsem[rb]
            ).wait()

        def wait_stores(tb):
            for fb in range(n_fb):
                pltpu.make_async_copy(
                    tbufs[tb].at[pl.ds(8 * fb, 8)],
                    out5.at[0, fb, 0],
                    ssem[tb],
                ).wait()

        for l0 in range(_NBUF):
            fire(l0, l0)

        def step(g, carry):
            fidx = [h * _L + lax.iota(jnp.int32, _L) for h in range(d // _L)]
            for rb in range(_NBUF):
                tb = rb % _TBUF
                l = g * _NBUF + rb
                wait_gather(rb)

                @pl.when(l >= _TBUF)
                def _():
                    wait_stores(tb)

                @plsc.parallel_loop(0, _BB, unroll=8)
                def _(b):
                    bidx = jnp.full((_L,), b, jnp.int32)
                    for h in range(d // _L):
                        hseg = h * _L + lax.iota(jnp.int32, _L)
                        vals = rows[rb][b, pl.ds(h * _L, _L)]
                        plsc.store_scatter(tbufs[tb], [hseg, bidx], vals)

                @pl.when(l + _NBUF < seq)
                def _():
                    fire(l + _NBUF, rb)

                for fb in range(n_fb):
                    pltpu.async_copy(
                        tbufs[tb].at[pl.ds(8 * fb, 8)],
                        out5.at[l, fb, wid],
                        ssem[tb],
                    )

            return carry

        lax.fori_loop(0, seq // _NBUF, step, 0)

        for tb in range(_TBUF):
            wait_stores(tb)

    return lookup


def kernel(x, weight):
    bsz, seq = x.shape
    v, d = weight.shape
    out5 = _make_lookup(bsz, seq, v, d)(weight, x.T)
    return out5.transpose(2, 4, 0, 1, 3).reshape(bsz, seq, d)

# --- scband reference (transcript-rebuilt; emitter-appended) ---
"""Pipeline reference for scband-embeddings-72559177498755 (READ-ONLY COPY).

The authoritative reference and input builder live on the scoring server;
editing this copy changes nothing except your own understanding.
"""

import jax, jax.numpy as jnp
import numpy as np

V = 1000000
D = 32
PAD = 0  # Constants.PAD assumed 0 (padding_idx)
B = 4096
L = 200

def setup_inputs(seed: int = 0):
    key = jax.random.key(seed)
    k_idx, k_w = jax.random.split(key)
    x = jax.random.randint(k_idx, (B, L), 0, V, dtype=jnp.int32)
    weight = jax.random.normal(k_w, (V, D), dtype=jnp.float32)
    # torch nn.Embedding with padding_idx zero-initializes the padding row
    weight = weight.at[PAD].set(0.0)
    return {"x": x, "weight": weight}

def reference(x, weight):
    # nn.Embedding forward: pure row gather from the table
    return jnp.take(weight, x, axis=0)

if __name__ == "__main__":
    import jax
    _d = setup_inputs()
    print(jax.jit(kernel)(*tuple(_d.values())))

</pallas_src>

<mosaic_0001>
#map = affine_map<(d0, d1) -> (0, 0)>
#map1 = affine_map<(d0, d1) -> (0, 0, 0, 0, 0)>
module attributes {stable_mosaic.version = 14 : i64} {
  func.func @lookup(%arg0: i32, %arg1: i32, %arg2: memref<1000000x32xf32, #tpu.memory_space<hbm>>, %arg3: memref<200x4096xi32, #tpu.memory_space<hbm>>, %arg4: memref<200x4x32x8x128xf32, #tpu.memory_space<hbm>>, %arg5: memref<200x128xi32, #tpu.memory_space<vmem>>, %arg6: memref<128x32xf32, #tpu.memory_space<vmem>>, %arg7: memref<128x32xf32, #tpu.memory_space<vmem>>, %arg8: memref<128x32xf32, #tpu.memory_space<vmem>>, %arg9: memref<128x32xf32, #tpu.memory_space<vmem>>, %arg10: memref<32x128xf32, #tpu.memory_space<vmem>>, %arg11: memref<32x128xf32, #tpu.memory_space<vmem>>, %arg12: memref<32x128xf32, #tpu.memory_space<vmem>>, %arg13: memref<32x128xf32, #tpu.memory_space<vmem>>, %arg14: memref<!tpu.dma_semaphore, #tpu.memory_space<semaphore_mem>>, %arg15: memref<!tpu.dma_semaphore, #tpu.memory_space<semaphore_mem>>, %arg16: memref<!tpu.dma_semaphore, #tpu.memory_space<semaphore_mem>>, %arg17: memref<!tpu.dma_semaphore, #tpu.memory_space<semaphore_mem>>, %arg18: memref<!tpu.dma_semaphore, #tpu.memory_space<semaphore_mem>>, %arg19: memref<!tpu.dma_semaphore, #tpu.memory_space<semaphore_mem>>, %arg20: memref<!tpu.dma_semaphore, #tpu.memory_space<semaphore_mem>>, %arg21: memref<!tpu.dma_semaphore, #tpu.memory_space<semaphore_mem>>) attributes {dimension_semantics = [#tpu.dimension_semantics<core_parallel>, #tpu.dimension_semantics<subcore_parallel>], iteration_bounds = array<i64: 2, 16>, scalar_prefetch = 0 : i64, scratch_operands = 17 : i64, tpu.core_type = #tpu.core_type<sc_vector_subcore>, window_params = [{transform_indices = #map}, {transform_indices = #map}, {transform_indices = #map1}]} {
    %mul3A = arith.constant 2 : i32
    %mul3A_0 = arith.muli %arg1, %mul3A : i32
    %add3A = arith.addi %mul3A_0, %arg0 : i32
    %mul3A_1 = arith.constant 128 : i32
    %mul3A_2 = arith.muli %add3A, %mul3A_1 : i32
    %multiple_of3A = tpu.assume_multiple %mul3A_2, 128 : i32
    "tpu.region"() ({
      %run_scoped3A = tpu.sem_alloc : memref<!tpu.dma_semaphore, #tpu.memory_space<semaphore_mem>>
      %dma_start3A_306 = arith.constant 0 : i32
      %dma_start3A_307 = tpu.memref_slice %arg3[%dma_start3A_306, %multiple_of3A] : memref<200x4096xi32, #tpu.memory_space<hbm>> -> memref<200x128xi32, #tpu.memory_space<hbm>>
      %dma_start3A_308 = arith.constant 0 : i32
      %dma_start3A_309 = tpu.memref_slice %arg3[%dma_start3A_308, %multiple_of3A] : memref<200x4096xi32, #tpu.memory_space<hbm>> -> memref<200x128xi32, #tpu.memory_space<hbm>>
      tpu.enqueue_dma source(%dma_start3A_309 : memref<200x128xi32, #tpu.memory_space<hbm>>) target(%arg5 : memref<200x128xi32, #tpu.memory_space<vmem>>) target_semaphore(%run_scoped3A : memref<!tpu.dma_semaphore, #tpu.memory_space<semaphore_mem>>)
      %dma_wait3A_310 = arith.constant 0 : i32
      %dma_wait3A_311 = tpu.memref_slice %arg3[%dma_wait3A_310, %multiple_of3A] : memref<200x4096xi32, #tpu.memory_space<hbm>> -> memref<200x128xi32, #tpu.memory_space<hbm>>
      %dma_wait3A_312 = arith.constant 0 : i32
      %dma_wait3A_313 = tpu.memref_slice %arg3[%dma_wait3A_312, %multiple_of3A] : memref<200x4096xi32, #tpu.memory_space<hbm>> -> memref<200x128xi32, #tpu.memory_space<hbm>>
      tpu.wait_dma2 semaphore(%run_scoped3A : memref<!tpu.dma_semaphore, #tpu.memory_space<semaphore_mem>>) src(%dma_wait3A_313 : memref<200x128xi32, #tpu.memory_space<hbm>>) dst(%arg5 : memref<200x128xi32, #tpu.memory_space<vmem>>)
      tpu.yield
    }) : () -> ()
    %dma_start3A = arith.constant 0 : i32
    %dma_start3A_3 = arith.constant 0 : i32
    %dma_start3A_4 = tpu.memref_slice %arg5[%dma_start3A, %dma_start3A_3] : memref<200x128xi32, #tpu.memory_space<vmem>> -> memref<1x128xi32, #tpu.memory_space<vmem>>
    %dma_start3A_5 = tpu.memref_squeeze %dma_start3A_4 : memref<1x128xi32, #tpu.memory_space<vmem>> -> memref<128xi32, #tpu.memory_space<vmem>>
    %dma_start3A_6 = arith.constant 0 : i32
    %dma_start3A_7 = arith.constant 0 : i32
    %dma_start3A_8 = tpu.memref_slice %arg2[%dma_start3A_6, %dma_start3A_7] : memref<1000000x32xf32, #tpu.memory_space<hbm>> -> memref<1000000x32xf32, #tpu.memory_space<hbm>>
    tpu.enqueue_indirect_dma source(%dma_start3A_8 : memref<1000000x32xf32, #tpu.memory_space<hbm>>) target(%arg6 : memref<128x32xf32, #tpu.memory_space<vmem>>) offsets(%dma_start3A_5 : memref<128xi32, #tpu.memory_space<vmem>>) semaphore(%arg14 : memref<!tpu.dma_semaphore, #tpu.memory_space<semaphore_mem>>)
    %dma_start3A_9 = arith.constant 1 : i32
    %dma_start3A_10 = arith.constant 0 : i32
    %dma_start3A_11 = tpu.memref_slice %arg5[%dma_start3A_9, %dma_start3A_10] : memref<200x128xi32, #tpu.memory_space<vmem>> -> memref<1x128xi32, #tpu.memory_space<vmem>>
    %dma_start3A_12 = tpu.memref_squeeze %dma_start3A_11 : memref<1x128xi32, #tpu.memory_space<vmem>> -> memref<128xi32, #tpu.memory_space<vmem>>
    %dma_start3A_13 = arith.constant 0 : i32
    %dma_start3A_14 = arith.constant 0 : i32
    %dma_start3A_15 = tpu.memref_slice %arg2[%dma_start3A_13, %dma_start3A_14] : memref<1000000x32xf32, #tpu.memory_space<hbm>> -> memref<1000000x32xf32, #tpu.memory_space<hbm>>
    tpu.enqueue_indirect_dma source(%dma_start3A_15 : memref<1000000x32xf32, #tpu.memory_space<hbm>>) target(%arg7 : memref<128x32xf32, #tpu.memory_space<vmem>>) offsets(%dma_start3A_12 : memref<128xi32, #tpu.memory_space<vmem>>) semaphore(%arg15 : memref<!tpu.dma_semaphore, #tpu.memory_space<semaphore_mem>>)
    %dma_start3A_16 = arith.constant 2 : i32
    %dma_start3A_17 = arith.constant 0 : i32
    %dma_start3A_18 = tpu.memref_slice %arg5[%dma_start3A_16, %dma_start3A_17] : memref<200x128xi32, #tpu.memory_space<vmem>> -> memref<1x128xi32, #tpu.memory_space<vmem>>
    %dma_start3A_19 = tpu.memref_squeeze %dma_start3A_18 : memref<1x128xi32, #tpu.memory_space<vmem>> -> memref<128xi32, #tpu.memory_space<vmem>>
    %dma_start3A_20 = arith.constant 0 : i32
    %dma_start3A_21 = arith.constant 0 : i32
    %dma_start3A_22 = tpu.memref_slice %arg2[%dma_start3A_20, %dma_start3A_21] : memref<1000000x32xf32, #tpu.memory_space<hbm>> -> memref<1000000x32xf32, #tpu.memory_space<hbm>>
    tpu.enqueue_indirect_dma source(%dma_start3A_22 : memref<1000000x32xf32, #tpu.memory_space<hbm>>) target(%arg8 : memref<128x32xf32, #tpu.memory_space<vmem>>) offsets(%dma_start3A_19 : memref<128xi32, #tpu.memory_space<vmem>>) semaphore(%arg16 : memref<!tpu.dma_semaphore, #tpu.memory_space<semaphore_mem>>)
    %dma_start3A_23 = arith.constant 3 : i32
    %dma_start3A_24 = arith.constant 0 : i32
    %dma_start3A_25 = tpu.memref_slice %arg5[%dma_start3A_23, %dma_start3A_24] : memref<200x128xi32, #tpu.memory_space<vmem>> -> memref<1x128xi32, #tpu.memory_space<vmem>>
    %dma_start3A_26 = tpu.memref_squeeze %dma_start3A_25 : memref<1x128xi32, #tpu.memory_space<vmem>> -> memref<128xi32, #tpu.memory_space<vmem>>
    %dma_start3A_27 = arith.constant 0 : i32
    %dma_start3A_28 = arith.constant 0 : i32
    %dma_start3A_29 = tpu.memref_slice %arg2[%dma_start3A_27, %dma_start3A_28] : memref<1000000x32xf32, #tpu.memory_space<hbm>> -> memref<1000000x32xf32, #tpu.memory_space<hbm>>
    tpu.enqueue_indirect_dma source(%dma_start3A_29 : memref<1000000x32xf32, #tpu.memory_space<hbm>>) target(%arg9 : memref<128x32xf32, #tpu.memory_space<vmem>>) offsets(%dma_start3A_26 : memref<128xi32, #tpu.memory_space<vmem>>) semaphore(%arg17 : memref<!tpu.dma_semaphore, #tpu.memory_space<semaphore_mem>>)
    %scan3A = arith.constant 0 : i32
    %scan3A_30 = arith.constant 0 : i32
    %scan3A_31 = arith.constant 50 : i32
    %scan3A_32 = arith.addi %scan3A_30, %scan3A_31 : i32
    %scan3A_33 = arith.constant 1 : i32
    scf.for %scan3A_306 = %scan3A_30 to %scan3A_32 step %scan3A_33  : i32 {
      %iota3A = tpu.iota {dimensions = array<i32: 0>} : vector<16xi32>
      %add3A_307 = arith.constant 0 : i32
      %add3A_308 = vector.broadcast %add3A_307 : i32 to vector<16xi32>
      %add3A_309 = arith.addi %add3A_308, %iota3A : vector<16xi32>
      %iota3A_310 = tpu.iota {dimensions = array<i32: 0>} : vector<16xi32>
      %add3A_311 = arith.constant 16 : i32
      %add3A_312 = vector.broadcast %add3A_311 : i32 to vector<16xi32>
      %add3A_313 = arith.addi %add3A_312, %iota3A_310 : vector<16xi32>
      %mul3A_314 = arith.constant 4 : i32
      %mul3A_315 = arith.muli %scan3A_306, %mul3A_314 : i32
      %add3A_316 = arith.constant 0 : i32
      %add3A_317 = arith.addi %mul3A_315, %add3A_316 : i32
      %dma_wait3A_318 = arith.constant 0 : i32
      %dma_wait3A_319 = arith.constant 0 : i32
      %dma_wait3A_320 = tpu.memref_slice %arg5[%dma_wait3A_318, %dma_wait3A_319] : memref<200x128xi32, #tpu.memory_space<vmem>> -> memref<1x128xi32, #tpu.memory_space<vmem>>
      %dma_wait3A_321 = tpu.memref_squeeze %dma_wait3A_320 : memref<1x128xi32, #tpu.memory_space<vmem>> -> memref<128xi32, #tpu.memory_space<vmem>>
      %dma_wait3A_322 = arith.constant 0 : i32
      %dma_wait3A_323 = arith.constant 0 : i32
      %dma_wait3A_324 = tpu.memref_slice %arg2[%dma_wait3A_322, %dma_wait3A_323] : memref<1000000x32xf32, #tpu.memory_space<hbm>> -> memref<1000000x32xf32, #tpu.memory_space<hbm>>
      tpu.wait_indirect_dma semaphore(%arg14 : memref<!tpu.dma_semaphore, #tpu.memory_space<semaphore_mem>>) src(%dma_wait3A_324 : memref<1000000x32xf32, #tpu.memory_space<hbm>>) dst(%arg6 : memref<128x32xf32, #tpu.memory_space<vmem>>)
      %ge3A = arith.constant 4 : i32
      %ge3A_325 = arith.cmpi sge, %add3A_317, %ge3A : i32
      %convert_element_type3A = arith.extui %ge3A_325 : i1 to i32
      %cond3A = arith.constant 0 : i32
      %cond3A_326 = arith.cmpi ne, %convert_element_type3A, %cond3A : i32
      scf.if %cond3A_326 {
        %dma_wait3A_653 = arith.constant 0 : i32
        %dma_wait3A_654 = arith.constant 0 : i32
        %dma_wait3A_655 = arith.constant 0 : i32
        %dma_wait3A_656 = arith.constant 0 : i32
        %dma_wait3A_657 = arith.constant 0 : i32
        %dma_wait3A_658 = tpu.memref_slice %arg10[%dma_wait3A_656, %dma_wait3A_657] : memref<32x128xf32, #tpu.memory_space<vmem>> -> memref<8x128xf32, #tpu.memory_space<vmem>>
        %dma_wait3A_659 = arith.constant 0 : i32
        %dma_wait3A_660 = arith.constant 0 : i32
        %dma_wait3A_661 = tpu.memref_slice %arg4[%dma_wait3A_653, %dma_wait3A_654, %dma_wait3A_655, %dma_wait3A_659, %dma_wait3A_660] : memref<200x4x32x8x128xf32, #tpu.memory_space<hbm>> -> memref<1x1x1x8x128xf32, #tpu.memory_space<hbm>>
        %dma_wait3A_662 = tpu.memref_squeeze %dma_wait3A_661 : memref<1x1x1x8x128xf32, #tpu.memory_space<hbm>> -> memref<8x128xf32, #tpu.memory_space<hbm>>
        %dma_wait3A_663 = arith.constant 0 : i32
        %dma_wait3A_664 = arith.constant 0 : i32
        %dma_wait3A_665 = tpu.memref_slice %arg4[%dma_wait3A_653, %dma_wait3A_654, %dma_wait3A_655, %dma_wait3A_663, %dma_wait3A_664] : memref<200x4x32x8x128xf32, #tpu.memory_space<hbm>> -> memref<1x1x1x8x128xf32, #tpu.memory_space<hbm>>
        %dma_wait3A_666 = tpu.memref_squeeze %dma_wait3A_665 : memref<1x1x1x8x128xf32, #tpu.memory_space<hbm>> -> memref<8x128xf32, #tpu.memory_space<hbm>>
        %dma_wait3A_667 = arith.constant 0 : i32
        %dma_wait3A_668 = arith.constant 0 : i32
        %dma_wait3A_669 = tpu.memref_slice %arg10[%dma_wait3A_667, %dma_wait3A_668] : memref<32x128xf32, #tpu.memory_space<vmem>> -> memref<8x128xf32, #tpu.memory_space<vmem>>
        tpu.wait_dma2 semaphore(%arg18 : memref<!tpu.dma_semaphore, #tpu.memory_space<semaphore_mem>>) src(%dma_wait3A_669 : memref<8x128xf32, #tpu.memory_space<vmem>>) dst(%dma_wait3A_666 : memref<8x128xf32, #tpu.memory_space<hbm>>)
        %dma_wait3A_670 = arith.constant 0 : i32
        %dma_wait3A_671 = arith.constant 1 : i32
        %dma_wait3A_672 = arith.constant 0 : i32
        %dma_wait3A_673 = arith.constant 8 : i32
        %dma_wait3A_674 = arith.constant 0 : i32
        %dma_wait3A_675 = tpu.memref_slice %arg10[%dma_wait3A_673, %dma_wait3A_674] : memref<32x128xf32, #tpu.memory_space<vmem>> -> memref<8x128xf32, #tpu.memory_space<vmem>>
        %dma_wait3A_676 = arith.constant 0 : i32
        %dma_wait3A_677 = arith.constant 0 : i32
        %dma_wait3A_678 = tpu.memref_slice %arg4[%dma_wait3A_670, %dma_wait3A_671, %dma_wait3A_672, %dma_wait3A_676, %dma_wait3A_677] : memref<200x4x32x8x128xf32, #tpu.memory_space<hbm>> -> memref<1x1x1x8x128xf32, #tpu.memory_space<hbm>>
        %dma_wait3A_679 = tpu.memref_squeeze %dma_wait3A_678 : memref<1x1x1x8x128xf32, #tpu.memory_space<hbm>> -> memref<8x128xf32, #tpu.memory_space<hbm>>
        %dma_wait3A_680 = arith.constant 0 : i32
        %dma_wait3A_681 = arith.constant 0 : i32
        %dma_wait3A_682 = tpu.memref_slice %arg4[%dma_wait3A_670, %dma_wait3A_671, %dma_wait3A_672, %dma_wait3A_680, %dma_wait3A_681] : memref<200x4x32x8x128xf32, #tpu.memory_space<hbm>> -> memref<1x1x1x8x128xf32, #tpu.memory_space<hbm>>
        %dma_wait3A_683 = tpu.memref_squeeze %dma_wait3A_682 : memref<1x1x1x8x128xf32, #tpu.memory_space<hbm>> -> memref<8x128xf32, #tpu.memory_space<hbm>>
        %dma_wait3A_684 = arith.constant 8 : i32
        %dma_wait3A_685 = arith.constant 0 : i32
        %dma_wait3A_686 = tpu.memref_slice %arg10[%dma_wait3A_684, %dma_wait3A_685] : memref<32x128xf32, #tpu.memory_space<vmem>> -> memref<8x128xf32, #tpu.memory_space<vmem>>
        tpu.wait_dma2 semaphore(%arg18 : memref<!tpu.dma_semaphore, #tpu.memory_space<semaphore_mem>>) src(%dma_wait3A_686 : memref<8x128xf32, #tpu.memory_space<vmem>>) dst(%dma_wait3A_683 : memref<8x128xf32, #tpu.memory_space<hbm>>)
        %dma_wait3A_687 = arith.constant 0 : i32
        %dma_wait3A_688 = arith.constant 2 : i32
        %dma_wait3A_689 = arith.constant 0 : i32
        %dma_wait3A_690 = arith.constant 16 : i32
        %dma_wait3A_691 = arith.constant 0 : i32
        %dma_wait3A_692 = tpu.memref_slice %arg10[%dma_wait3A_690, %dma_wait3A_691] : memref<32x128xf32, #tpu.memory_space<vmem>> -> memref<8x128xf32, #tpu.memory_space<vmem>>
        %dma_wait3A_693 = arith.constant 0 : i32
        %dma_wait3A_694 = arith.constant 0 : i32
        %dma_wait3A_695 = tpu.memref_slice %arg4[%dma_wait3A_687, %dma_wait3A_688, %dma_wait3A_689, %dma_wait3A_693, %dma_wait3A_694] : memref<200x4x32x8x128xf32, #tpu.memory_space<hbm>> -> memref<1x1x1x8x128xf32, #tpu.memory_space<hbm>>
        %dma_wait3A_696 = tpu.memref_squeeze %dma_wait3A_695 : memref<1x1x1x8x128xf32, #tpu.memory_space<hbm>> -> memref<8x128xf32, #tpu.memory_space<hbm>>
        %dma_wait3A_697 = arith.constant 0 : i32
        %dma_wait3A_698 = arith.constant 0 : i32
        %dma_wait3A_699 = tpu.memref_slice %arg4[%dma_wait3A_687, %dma_wait3A_688, %dma_wait3A_689, %dma_wait3A_697, %dma_wait3A_698] : memref<200x4x32x8x128xf32, #tpu.memory_space<hbm>> -> memref<1x1x1x8x128xf32, #tpu.memory_space<hbm>>
        %dma_wait3A_700 = tpu.memref_squeeze %dma_wait3A_699 : memref<1x1x1x8x128xf32, #tpu.memory_space<hbm>> -> memref<8x128xf32, #tpu.memory_space<hbm>>
        %dma_wait3A_701 = arith.constant 16 : i32
        %dma_wait3A_702 = arith.constant 0 : i32
        %dma_wait3A_703 = tpu.memref_slice %arg10[%dma_wait3A_701, %dma_wait3A_702] : memref<32x128xf32, #tpu.memory_space<vmem>> -> memref<8x128xf32, #tpu.memory_space<vmem>>
        tpu.wait_dma2 semaphore(%arg18 : memref<!tpu.dma_semaphore, #tpu.memory_space<semaphore_mem>>) src(%dma_wait3A_703 : memref<8x128xf32, #tpu.memory_space<vmem>>) dst(%dma_wait3A_700 : memref<8x128xf32, #tpu.memory_space<hbm>>)
        %dma_wait3A_704 = arith.constant 0 : i32
        %dma_wait3A_705 = arith.constant 3 : i32
        %dma_wait3A_706 = arith.constant 0 : i32
        %dma_wait3A_707 = arith.constant 24 : i32
        %dma_wait3A_708 = arith.constant 0 : i32
        %dma_wait3A_709 = tpu.memref_slice %arg10[%dma_wait3A_707, %dma_wait3A_708] : memref<32x128xf32, #tpu.memory_space<vmem>> -> memref<8x128xf32, #tpu.memory_space<vmem>>
        %dma_wait3A_710 = arith.constant 0 : i32
        %dma_wait3A_711 = arith.constant 0 : i32
        %dma_wait3A_712 = tpu.memref_slice %arg4[%dma_wait3A_704, %dma_wait3A_705, %dma_wait3A_706, %dma_wait3A_710, %dma_wait3A_711] : memref<200x4x32x8x128xf32, #tpu.memory_space<hbm>> -> memref<1x1x1x8x128xf32, #tpu.memory_space<hbm>>
        %dma_wait3A_713 = tpu.memref_squeeze %dma_wait3A_712 : memref<1x1x1x8x128xf32, #tpu.memory_space<hbm>> -> memref<8x128xf32, #tpu.memory_space<hbm>>
        %dma_wait3A_714 = arith.constant 0 : i32
        %dma_wait3A_715 = arith.constant 0 : i32
        %dma_wait3A_716 = tpu.memref_slice %arg4[%dma_wait3A_704, %dma_wait3A_705, %dma_wait3A_706, %dma_wait3A_714, %dma_wait3A_715] : memref<200x4x32x8x128xf32, #tpu.memory_space<hbm>> -> memref<1x1x1x8x128xf32, #tpu.memory_space<hbm>>
        %dma_wait3A_717 = tpu.memref_squeeze %dma_wait3A_716 : memref<1x1x1x8x128xf32, #tpu.memory_space<hbm>> -> memref<8x128xf32, #tpu.memory_space<hbm>>
        %dma_wait3A_718 = arith.constant 24 : i32
        %dma_wait3A_719 = arith.constant 0 : i32
        %dma_wait3A_720 = tpu.memref_slice %arg10[%dma_wait3A_718, %dma_wait3A_719] : memref<32x128xf32, #tpu.memory_space<vmem>> -> memref<8x128xf32, #tpu.memory_space<vmem>>
        tpu.wait_dma2 semaphore(%arg18 : memref<!tpu.dma_semaphore, #tpu.memory_space<semaphore_mem>>) src(%dma_wait3A_720 : memref<8x128xf32, #tpu.memory_space<vmem>>) dst(%dma_wait3A_717 : memref<8x128xf32, #tpu.memory_space<hbm>>)
      } else {
      }
      %parallel_loop3A = arith.constant 0 : i32
      %parallel_loop3A_327 = arith.constant 128 : i32
      %parallel_loop3A_328 = arith.constant 1 : i32
      scf.for %parallel_loop3A_653 = %parallel_loop3A to %parallel_loop3A_327 step %parallel_loop3A_328  : i32 {
        %parallel_loop3A_654 = vector.broadcast %parallel_loop3A_653 : i32 to vector<16xi32>
        %parallel_loop3A_655 = tpu.iota {dimensions = array<i32: 0>} : vector<16xi32>
        %parallel_loop3A_656 = arith.constant 0 : i32
        %parallel_loop3A_657 = vector.broadcast %parallel_loop3A_656 : i32 to vector<16xi32>
        %parallel_loop3A_658 = arith.addi %parallel_loop3A_657, %parallel_loop3A_655 : vector<16xi32>
        %parallel_loop3A_659 = arith.index_cast %parallel_loop3A_653 : i32 to index
        %parallel_loop3A_660 = arith.constant 0 : index
        %parallel_loop3A_661 = tpu.vector_load %arg6[%parallel_loop3A_659, %parallel_loop3A_660] {strides = array<i32>} : memref<128x32xf32, #tpu.memory_space<vmem>>, vector<16xf32>,
        tpu.vector_store_idx %arg10[%parallel_loop3A_658, %parallel_loop3A_654], %parallel_loop3A_661 : memref<32x128xf32, #tpu.memory_space<vmem>>[vector<16xi32>, vector<16xi32>], vector<16xf32>,
        %parallel_loop3A_662 = tpu.iota {dimensions = array<i32: 0>} : vector<16xi32>
        %parallel_loop3A_663 = arith.constant 16 : i32
        %parallel_loop3A_664 = vector.broadcast %parallel_loop3A_663 : i32 to vector<16xi32>
        %parallel_loop3A_665 = arith.addi %parallel_loop3A_664, %parallel_loop3A_662 : vector<16xi32>
        %parallel_loop3A_666 = arith.index_cast %parallel_loop3A_653 : i32 to index
        %parallel_loop3A_667 = arith.constant 16 : index
        %parallel_loop3A_668 = tpu.vector_load %arg6[%parallel_loop3A_666, %parallel_loop3A_667] {strides = array<i32>} : memref<128x32xf32, #tpu.memory_space<vmem>>, vector<16xf32>,
        tpu.vector_store_idx %arg10[%parallel_loop3A_665, %parallel_loop3A_654], %parallel_loop3A_668 : memref<32x128xf32, #tpu.memory_space<vmem>>[vector<16xi32>, vector<16xi32>], vector<16xf32>,
      } {sc.loop_unroll_factor = 8 : i64, sc.parallel_access}
      %add3A_329 = arith.constant 4 : i32
      %add3A_330 = arith.addi %add3A_317, %add3A_329 : i32
      %lt3A = arith.constant 200 : i32
      %lt3A_331 = arith.cmpi slt, %add3A_330, %lt3A : i32
      %convert_element_type3A_332 = arith.extui %lt3A_331 : i1 to i32
      %cond3A_333 = arith.constant 0 : i32
      %cond3A_334 = arith.cmpi ne, %convert_element_type3A_332, %cond3A_333 : i32
      scf.if %cond3A_334 {
        %add3A_653 = arith.constant 4 : i32
        %add3A_654 = arith.addi %add3A_317, %add3A_653 : i32
        %dma_start3A_655 = arith.constant 0 : i32
        %dma_start3A_656 = tpu.memref_slice %arg5[%add3A_654, %dma_start3A_655] : memref<200x128xi32, #tpu.memory_space<vmem>> -> memref<1x128xi32, #tpu.memory_space<vmem>>
        %dma_start3A_657 = tpu.memref_squeeze %dma_start3A_656 : memref<1x128xi32, #tpu.memory_space<vmem>> -> memref<128xi32, #tpu.memory_space<vmem>>
        %dma_start3A_658 = arith.constant 0 : i32
        %dma_start3A_659 = arith.constant 0 : i32
        %dma_start3A_660 = tpu.memref_slice %arg2[%dma_start3A_658, %dma_start3A_659] : memref<1000000x32xf32, #tpu.memory_space<hbm>> -> memref<1000000x32xf32, #tpu.memory_space<hbm>>
        tpu.enqueue_indirect_dma source(%dma_start3A_660 : memref<1000000x32xf32, #tpu.memory_space<hbm>>) target(%arg6 : memref<128x32xf32, #tpu.memory_space<vmem>>) offsets(%dma_start3A_657 : memref<128xi32, #tpu.memory_space<vmem>>) semaphore(%arg14 : memref<!tpu.dma_semaphore, #tpu.memory_space<semaphore_mem>>)
      } else {
      }
      %dma_start3A_335 = arith.constant 0 : i32
      %dma_start3A_336 = arith.constant 0 : i32
      %dma_start3A_337 = arith.constant 0 : i32
      %dma_start3A_338 = tpu.memref_slice %arg10[%dma_start3A_336, %dma_start3A_337] : memref<32x128xf32, #tpu.memory_space<vmem>> -> memref<8x128xf32, #tpu.memory_space<vmem>>
      %dma_start3A_339 = arith.constant 0 : i32
      %dma_start3A_340 = arith.constant 0 : i32
      %dma_start3A_341 = tpu.memref_slice %arg4[%add3A_317, %dma_start3A_335, %add3A, %dma_start3A_339, %dma_start3A_340] : memref<200x4x32x8x128xf32, #tpu.memory_space<hbm>> -> memref<1x1x1x8x128xf32, #tpu.memory_space<hbm>>
      %dma_start3A_342 = tpu.memref_squeeze %dma_start3A_341 : memref<1x1x1x8x128xf32, #tpu.memory_space<hbm>> -> memref<8x128xf32, #tpu.memory_space<hbm>>
      %dma_start3A_343 = arith.constant 0 : i32
      %dma_start3A_344 = arith.constant 0 : i32
      %dma_start3A_345 = tpu.memref_slice %arg4[%add3A_317, %dma_start3A_335, %add3A, %dma_start3A_343, %dma_start3A_344] : memref<200x4x32x8x128xf32, #tpu.memory_space<hbm>> -> memref<1x1x1x8x128xf32, #tpu.memory_space<hbm>>
      %dma_start3A_346 = tpu.memref_squeeze %dma_start3A_345 : memref<1x1x1x8x128xf32, #tpu.memory_space<hbm>> -> memref<8x128xf32, #tpu.memory_space<hbm>>
      %dma_start3A_347 = arith.constant 0 : i32
      %dma_start3A_348 = arith.constant 0 : i32
      %dma_start3A_349 = tpu.memref_slice %arg10[%dma_start3A_347, %dma_start3A_348] : memref<32x128xf32, #tpu.memory_space<vmem>> -> memref<8x128xf32, #tpu.memory_space<vmem>>
      tpu.enqueue_dma source(%dma_start3A_349 : memref<8x128xf32, #tpu.memory_space<vmem>>) target(%dma_start3A_346 : memref<8x128xf32, #tpu.memory_space<hbm>>) target_semaphore(%arg18 : memref<!tpu.dma_semaphore, #tpu.memory_space<semaphore_mem>>)
      %dma_start3A_350 = arith.constant 1 : i32
      %dma_start3A_351 = arith.constant 8 : i32
      %dma_start3A_352 = arith.constant 0 : i32
      %dma_start3A_353 = tpu.memref_slice %arg10[%dma_start3A_351, %dma_start3A_352] : memref<32x128xf32, #tpu.memory_space<vmem>> -> memref<8x128xf32, #tpu.memory_space<vmem>>
      %dma_start3A_354 = arith.constant 0 : i32
      %dma_start3A_355 = arith.constant 0 : i32
      %dma_start3A_356 = tpu.memref_slice %arg4[%add3A_317, %dma_start3A_350, %add3A, %dma_start3A_354, %dma_start3A_355] : memref<200x4x32x8x128xf32, #tpu.memory_space<hbm>> -> memref<1x1x1x8x128xf32, #tpu.memory_space<hbm>>
      %dma_start3A_357 = tpu.memref_squeeze %dma_start3A_356 : memref<1x1x1x8x128xf32, #tpu.memory_space<hbm>> -> memref<8x128xf32, #tpu.memory_space<hbm>>
      %dma_start3A_358 = arith.constant 0 : i32
      %dma_start3A_359 = arith.constant 0 : i32
      %dma_start3A_360 = tpu.memref_slice %arg4[%add3A_317, %dma_start3A_350, %add3A, %dma_start3A_358, %dma_start3A_359] : memref<200x4x32x8x128xf32, #tpu.memory_space<hbm>> -> memref<1x1x1x8x128xf32, #tpu.memory_space<hbm>>
      %dma_start3A_361 = tpu.memref_squeeze %dma_start3A_360 : memref<1x1x1x8x128xf32, #tpu.memory_space<hbm>> -> memref<8x128xf32, #tpu.memory_space<hbm>>
      %dma_start3A_362 = arith.constant 8 : i32
      %dma_start3A_363 = arith.constant 0 : i32
      %dma_start3A_364 = tpu.memref_slice %arg10[%dma_start3A_362, %dma_start3A_363] : memref<32x128xf32, #tpu.memory_space<vmem>> -> memref<8x128xf32, #tpu.memory_space<vmem>>
      tpu.enqueue_dma source(%dma_start3A_364 : memref<8x128xf32, #tpu.memory_space<vmem>>) target(%dma_start3A_361 : memref<8x128xf32, #tpu.memory_space<hbm>>) target_semaphore(%arg18 : memref<!tpu.dma_semaphore, #tpu.memory_space<semaphore_mem>>)
      %dma_start3A_365 = arith.constant 2 : i32
      %dma_start3A_366 = arith.constant 16 : i32
      %dma_start3A_367 = arith.constant 0 : i32
      %dma_start3A_368 = tpu.memref_slice %arg10[%dma_start3A_366, %dma_start3A_367] : memref<32x128xf32, #tpu.memory_space<vmem>> -> memref<8x128xf32, #tpu.memory_space<vmem>>
      %dma_start3A_369 = arith.constant 0 : i32
      %dma_start3A_370 = arith.constant 0 : i32
      %dma_start3A_371 = tpu.memref_slice %arg4[%add3A_317, %dma_start3A_365, %add3A, %dma_start3A_369, %dma_start3A_370] : memref<200x4x32x8x128xf32, #tpu.memory_space<hbm>> -> memref<1x1x1x8x128xf32, #tpu.memory_space<hbm>>
      %dma_start3A_372 = tpu.memref_squeeze %dma_start3A_371 : memref<1x1x1x8x128xf32, #tpu.memory_space<hbm>> -> memref<8x128xf32, #tpu.memory_space<hbm>>
      %dma_start3A_373 = arith.constant 0 : i32
      %dma_start3A_374 = arith.constant 0 : i32
      %dma_start3A_375 = tpu.memref_slice %arg4[%add3A_317, %dma_start3A_365, %add3A, %dma_start3A_373, %dma_start3A_374] : memref<200x4x32x8x128xf32, #tpu.memory_space<hbm>> -> memref<1x1x1x8x128xf32, #tpu.memory_space<hbm>>
      %dma_start3A_376 = tpu.memref_squeeze %dma_start3A_375 : memref<1x1x1x8x128xf32, #tpu.memory_space<hbm>> -> memref<8x128xf32, #tpu.memory_space<hbm>>
      %dma_start3A_377 = arith.constant 16 : i32
      %dma_start3A_378 = arith.constant 0 : i32
      %dma_start3A_379 = tpu.memref_slice %arg10[%dma_start3A_377, %dma_start3A_378] : memref<32x128xf32, #tpu.memory_space<vmem>> -> memref<8x128xf32, #tpu.memory_space<vmem>>
      tpu.enqueue_dma source(%dma_start3A_379 : memref<8x128xf32, #tpu.memory_space<vmem>>) target(%dma_start3A_376 : memref<8x128xf32, #tpu.memory_space<hbm>>) target_semaphore(%arg18 : memref<!tpu.dma_semaphore, #tpu.memory_space<semaphore_mem>>)
      %dma_start3A_380 = arith.constant 3 : i32
      %dma_start3A_381 = arith.constant 24 : i32
      %dma_start3A_382 = arith.constant 0 : i32
      %dma_start3A_383 = tpu.memref_slice %arg10[%dma_start3A_381, %dma_start3A_382] : memref<32x128xf32, #tpu.memory_space<vmem>> -> memref<8x128xf32, #tpu.memory_space<vmem>>
      %dma_start3A_384 = arith.constant 0 : i32
      %dma_start3A_385 = arith.constant 0 : i32
      %dma_start3A_386 = tpu.memref_slice %arg4[%add3A_317, %dma_start3A_380, %add3A, %dma_start3A_384, %dma_start3A_385] : memref<200x4x32x8x128xf32, #tpu.memory_space<hbm>> -> memref<1x1x1x8x128xf32, #tpu.memory_space<hbm>>
      %dma_start3A_387 = tpu.memref_squeeze %dma_start3A_386 : memref<1x1x1x8x128xf32, #tpu.memory_space<hbm>> -> memref<8x128xf32, #tpu.memory_space<hbm>>
      %dma_start3A_388 = arith.constant 0 : i32
      %dma_start3A_389 = arith.constant 0 : i32
      %dma_start3A_390 = tpu.memref_slice %arg4[%add3A_317, %dma_start3A_380, %add3A, %dma_start3A_388, %dma_start3A_389] : memref<200x4x32x8x128xf32, #tpu.memory_space<hbm>> -> memref<1x1x1x8x128xf32, #tpu.memory_space<hbm>>
      %dma_start3A_391 = tpu.memref_squeeze %dma_start3A_390 : memref<1x1x1x8x128xf32, #tpu.memory_space<hbm>> -> memref<8x128xf32, #tpu.memory_space<hbm>>
      %dma_start3A_392 = arith.constant 24 : i32
      %dma_start3A_393 = arith.constant 0 : i32
      %dma_start3A_394 = tpu.memref_slice %arg10[%dma_start3A_392, %dma_start3A_393] : memref<32x128xf32, #tpu.memory_space<vmem>> -> memref<8x128xf32, #tpu.memory_space<vmem>>
      tpu.enqueue_dma source(%dma_start3A_394 : memref<8x128xf32, #tpu.memory_space<vmem>>) target(%dma_start3A_391 : memref<8x128xf32, #tpu.memory_space<hbm>>) target_semaphore(%arg18 : memref<!tpu.dma_semaphore, #tpu.memory_space<semaphore_mem>>)
      %mul3A_395 = arith.constant 4 : i32
      %mul3A_396 = arith.muli %scan3A_306, %mul3A_395 : i32
      %add3A_397 = arith.constant 1 : i32
      %add3A_398 = arith.addi %mul3A_396, %add3A_397 : i32
      %dma_wait3A_399 = arith.constant 0 : i32
      %dma_wait3A_400 = arith.constant 0 : i32
      %dma_wait3A_401 = tpu.memref_slice %arg5[%dma_wait3A_399, %dma_wait3A_400] : memref<200x128xi32, #tpu.memory_space<vmem>> -> memref<1x128xi32, #tpu.memory_space<vmem>>
      %dma_wait3A_402 = tpu.memref_squeeze %dma_wait3A_401 : memref<1x128xi32, #tpu.memory_space<vmem>> -> memref<128xi32, #tpu.memory_space<vmem>>
      %dma_wait3A_403 = arith.constant 0 : i32
      %dma_wait3A_404 = arith.constant 0 : i32
      %dma_wait3A_405 = tpu.memref_slice %arg2[%dma_wait3A_403, %dma_wait3A_404] : memref<1000000x32xf32, #tpu.memory_space<hbm>> -> memref<1000000x32xf32, #tpu.memory_space<hbm>>
      tpu.wait_indirect_dma semaphore(%arg15 : memref<!tpu.dma_semaphore, #tpu.memory_space<semaphore_mem>>) src(%dma_wait3A_405 : memref<1000000x32xf32, #tpu.memory_space<hbm>>) dst(%arg7 : memref<128x32xf32, #tpu.memory_space<vmem>>)
      %ge3A_406 = arith.constant 4 : i32
      %ge3A_407 = arith.cmpi sge, %add3A_398, %ge3A_406 : i32
      %convert_element_type3A_408 = arith.extui %ge3A_407 : i1 to i32
      %cond3A_409 = arith.constant 0 : i32
      %cond3A_410 = arith.cmpi ne, %convert_element_type3A_408, %cond3A_409 : i32
      scf.if %cond3A_410 {
        %dma_wait3A_653 = arith.constant 0 : i32
        %dma_wait3A_654 = arith.constant 0 : i32
        %dma_wait3A_655 = arith.constant 0 : i32
        %dma_wait3A_656 = arith.constant 0 : i32
        %dma_wait3A_657 = arith.constant 0 : i32
        %dma_wait3A_658 = tpu.memref_slice %arg11[%dma_wait3A_656, %dma_wait3A_657] : memref<32x128xf32, #tpu.memory_space<vmem>> -> memref<8x128xf32, #tpu.memory_space<vmem>>
        %dma_wait3A_659 = arith.constant 0 : i32
        %dma_wait3A_660 = arith.constant 0 : i32
        %dma_wait3A_661 = tpu.memref_slice %arg4[%dma_wait3A_653, %dma_wait3A_654, %dma_wait3A_655, %dma_wait3A_659, %dma_wait3A_660] : memref<200x4x32x8x128xf32, #tpu.memory_space<hbm>> -> memref<1x1x1x8x128xf32, #tpu.memory_space<hbm>>
        %dma_wait3A_662 = tpu.memref_squeeze %dma_wait3A_661 : memref<1x1x1x8x128xf32, #tpu.memory_space<hbm>> -> memref<8x128xf32, #tpu.memory_space<hbm>>
        %dma_wait3A_663 = arith.constant 0 : i32
        %dma_wait3A_664 = arith.constant 0 : i32
        %dma_wait3A_665 = tpu.memref_slice %arg4[%dma_wait3A_653, %dma_wait3A_654, %dma_wait3A_655, %dma_wait3A_663, %dma_wait3A_664] : memref<200x4x32x8x128xf32, #tpu.memory_space<hbm>> -> memref<1x1x1x8x128xf32, #tpu.memory_space<hbm>>
        %dma_wait3A_666 = tpu.memref_squeeze %dma_wait3A_665 : memref<1x1x1x8x128xf32, #tpu.memory_space<hbm>> -> memref<8x128xf32, #tpu.memory_space<hbm>>
        %dma_wait3A_667 = arith.constant 0 : i32
        %dma_wait3A_668 = arith.constant 0 : i32
        %dma_wait3A_669 = tpu.memref_slice %arg11[%dma_wait3A_667, %dma_wait3A_668] : memref<32x128xf32, #tpu.memory_space<vmem>> -> memref<8x128xf32, #tpu.memory_space<vmem>>
        tpu.wait_dma2 semaphore(%arg19 : memref<!tpu.dma_semaphore, #tpu.memory_space<semaphore_mem>>) src(%dma_wait3A_669 : memref<8x128xf32, #tpu.memory_space<vmem>>) dst(%dma_wait3A_666 : memref<8x128xf32, #tpu.memory_space<hbm>>)
        %dma_wait3A_670 = arith.constant 0 : i32
        %dma_wait3A_671 = arith.constant 1 : i32
        %dma_wait3A_672 = arith.constant 0 : i32
        %dma_wait3A_673 = arith.constant 8 : i32
        %dma_wait3A_674 = arith.constant 0 : i32
        %dma_wait3A_675 = tpu.memref_slice %arg11[%dma_wait3A_673, %dma_wait3A_674] : memref<32x128xf32, #tpu.memory_space<vmem>> -> memref<8x128xf32, #tpu.memory_space<vmem>>
        %dma_wait3A_676 = arith.constant 0 : i32
        %dma_wait3A_677 = arith.constant 0 : i32
        %dma_wait3A_678 = tpu.memref_slice %arg4[%dma_wait3A_670, %dma_wait3A_671, %dma_wait3A_672, %dma_wait3A_676, %dma_wait3A_677] : memref<200x4x32x8x128xf32, #tpu.memory_space<hbm>> -> memref<1x1x1x8x128xf32, #tpu.memory_space<hbm>>
        %dma_wait3A_679 = tpu.memref_squeeze %dma_wait3A_678 : memref<1x1x1x8x128xf32, #tpu.memory_space<hbm>> -> memref<8x128xf32, #tpu.memory_space<hbm>>
        %dma_wait3A_680 = arith.constant 0 : i32
        %dma_wait3A_681 = arith.constant 0 : i32
        %dma_wait3A_682 = tpu.memref_slice %arg4[%dma_wait3A_670, %dma_wait3A_671, %dma_wait3A_672, %dma_wait3A_680, %dma_wait3A_681] : memref<200x4x32x8x128xf32, #tpu.memory_space<hbm>> -> memref<1x1x1x8x128xf32, #tpu.memory_space<hbm>>
        %dma_wait3A_683 = tpu.memref_squeeze %dma_wait3A_682 : memref<1x1x1x8x128xf32, #tpu.memory_space<hbm>> -> memref<8x128xf32, #tpu.memory_space<hbm>>
        %dma_wait3A_684 = arith.constant 8 : i32
        %dma_wait3A_685 = arith.constant 0 : i32
        %dma_wait3A_686 = tpu.memref_slice %arg11[%dma_wait3A_684, %dma_wait3A_685] : memref<32x128xf32, #tpu.memory_space<vmem>> -> memref<8x128xf32, #tpu.memory_space<vmem>>
        tpu.wait_dma2 semaphore(%arg19 : memref<!tpu.dma_semaphore, #tpu.memory_space<semaphore_mem>>) src(%dma_wait3A_686 : memref<8x128xf32, #tpu.memory_space<vmem>>) dst(%dma_wait3A_683 : memref<8x128xf32, #tpu.memory_space<hbm>>)
        %dma_wait3A_687 = arith.constant 0 : i32
        %dma_wait3A_688 = arith.constant 2 : i32
        %dma_wait3A_689 = arith.constant 0 : i32
        %dma_wait3A_690 = arith.constant 16 : i32
        %dma_wait3A_691 = arith.constant 0 : i32
        %dma_wait3A_692 = tpu.memref_slice %arg11[%dma_wait3A_690, %dma_wait3A_691] : memref<32x128xf32, #tpu.memory_space<vmem>> -> memref<8x128xf32, #tpu.memory_space<vmem>>
        %dma_wait3A_693 = arith.constant 0 : i32
        %dma_wait3A_694 = arith.constant 0 : i32
        %dma_wait3A_695 = tpu.memref_slice %arg4[%dma_wait3A_687, %dma_wait3A_688, %dma_wait3A_689, %dma_wait3A_693, %dma_wait3A_694] : memref<200x4x32x8x128xf32, #tpu.memory_space<hbm>> -> memref<1x1x1x8x128xf32, #tpu.memory_space<hbm>>
        %dma_wait3A_696 = tpu.memref_squeeze %dma_wait3A_695 : memref<1x1x1x8x128xf32, #tpu.memory_space<hbm>> -> memref<8x128xf32, #tpu.memory_space<hbm>>
        %dma_wait3A_697 = arith.constant 0 : i32
        %dma_wait3A_698 = arith.constant 0 : i32
        %dma_wait3A_699 = tpu.memref_slice %arg4[%dma_wait3A_687, %dma_wait3A_688, %dma_wait3A_689, %dma_wait3A_697, %dma_wait3A_698] : memref<200x4x32x8x128xf32, #tpu.memory_space<hbm>> -> memref<1x1x1x8x128xf32, #tpu.memory_space<hbm>>
        %dma_wait3A_700 = tpu.memref_squeeze %dma_wait3A_699 : memref<1x1x1x8x128xf32, #tpu.memory_space<hbm>> -> memref<8x128xf32, #tpu.memory_space<hbm>>
        %dma_wait3A_701 = arith.constant 16 : i32
        %dma_wait3A_702 = arith.constant 0 : i32
        %dma_wait3A_703 = tpu.memref_slice %arg11[%dma_wait3A_701, %dma_wait3A_702] : memref<32x128xf32, #tpu.memory_space<vmem>> -> memref<8x128xf32, #tpu.memory_space<vmem>>
        tpu.wait_dma2 semaphore(%arg19 : memref<!tpu.dma_semaphore, #tpu.memory_space<semaphore_mem>>) src(%dma_wait3A_703 : memref<8x128xf32, #tpu.memory_space<vmem>>) dst(%dma_wait3A_700 : memref<8x128xf32, #tpu.memory_space<hbm>>)
        %dma_wait3A_704 = arith.constant 0 : i32
        %dma_wait3A_705 = arith.constant 3 : i32
        %dma_wait3A_706 = arith.constant 0 : i32
        %dma_wait3A_707 = arith.constant 24 : i32
        %dma_wait3A_708 = arith.constant 0 : i32
        %dma_wait3A_709 = tpu.memref_slice %arg11[%dma_wait3A_707, %dma_wait3A_708] : memref<32x128xf32, #tpu.memory_space<vmem>> -> memref<8x128xf32, #tpu.memory_space<vmem>>
        %dma_wait3A_710 = arith.constant 0 : i32
        %dma_wait3A_711 = arith.constant 0 : i32
        %dma_wait3A_712 = tpu.memref_slice %arg4[%dma_wait3A_704, %dma_wait3A_705, %dma_wait3A_706, %dma_wait3A_710, %dma_wait3A_711] : memref<200x4x32x8x128xf32, #tpu.memory_space<hbm>> -> memref<1x1x1x8x128xf32, #tpu.memory_space<hbm>>
        %dma_wait3A_713 = tpu.memref_squeeze %dma_wait3A_712 : memref<1x1x1x8x128xf32, #tpu.memory_space<hbm>> -> memref<8x128xf32, #tpu.memory_space<hbm>>
        %dma_wait3A_714 = arith.constant 0 : i32
        %dma_wait3A_715 = arith.constant 0 : i32
        %dma_wait3A_716 = tpu.memref_slice %arg4[%dma_wait3A_704, %dma_wait3A_705, %dma_wait3A_706, %dma_wait3A_714, %dma_wait3A_715] : memref<200x4x32x8x128xf32, #tpu.memory_space<hbm>> -> memref<1x1x1x8x128xf32, #tpu.memory_space<hbm>>
        %dma_wait3A_717 = tpu.memref_squeeze %dma_wait3A_716 : memref<1x1x1x8x128xf32, #tpu.memory_space<hbm>> -> memref<8x128xf32, #tpu.memory_space<hbm>>
        %dma_wait3A_718 = arith.constant 24 : i32
        %dma_wait3A_719 = arith.constant 0 : i32
        %dma_wait3A_720 = tpu.memref_slice %arg11[%dma_wait3A_718, %dma_wait3A_719] : memref<32x128xf32, #tpu.memory_space<vmem>> -> memref<8x128xf32, #tpu.memory_space<vmem>>
        tpu.wait_dma2 semaphore(%arg19 : memref<!tpu.dma_semaphore, #tpu.memory_space<semaphore_mem>>) src(%dma_wait3A_720 : memref<8x128xf32, #tpu.memory_space<vmem>>) dst(%dma_wait3A_717 : memref<8x128xf32, #tpu.memory_space<hbm>>)
      } else {
      }
      %parallel_loop3A_411 = arith.constant 0 : i32
      %parallel_loop3A_412 = arith.constant 128 : i32
      %parallel_loop3A_413 = arith.constant 1 : i32
      scf.for %parallel_loop3A_653 = %parallel_loop3A_411 to %parallel_loop3A_412 step %parallel_loop3A_413  : i32 {
        %parallel_loop3A_654 = vector.broadcast %parallel_loop3A_653 : i32 to vector<16xi32>
        %parallel_loop3A_655 = tpu.iota {dimensions = array<i32: 0>} : vector<16xi32>
        %parallel_loop3A_656 = arith.constant 0 : i32
        %parallel_loop3A_657 = vector.broadcast %parallel_loop3A_656 : i32 to vector<16xi32>
        %parallel_loop3A_658 = arith.addi %parallel_loop3A_657, %parallel_loop3A_655 : vector<16xi32>
        %parallel_loop3A_659 = arith.index_cast %parallel_loop3A_653 : i32 to index
        %parallel_loop3A_660 = arith.constant 0 : index
        %parallel_loop3A_661 = tpu.vector_load %arg7[%parallel_loop3A_659, %parallel_loop3A_660] {strides = array<i32>} : memref<128x32xf32, #tpu.memory_space<vmem>>, vector<16xf32>,
        tpu.vector_store_idx %arg11[%parallel_loop3A_658, %parallel_loop3A_654], %parallel_loop3A_661 : memref<32x128xf32, #tpu.memory_space<vmem>>[vector<16xi32>, vector<16xi32>], vector<16xf32>,
        %parallel_loop3A_662 = tpu.iota {dimensions = array<i32: 0>} : vector<16xi32>
        %parallel_loop3A_663 = arith.constant 16 : i32
        %parallel_loop3A_664 = vector.broadcast %parallel_loop3A_663 : i32 to vector<16xi32>
        %parallel_loop3A_665 = arith.addi %parallel_loop3A_664, %parallel_loop3A_662 : vector<16xi32>
        %parallel_loop3A_666 = arith.index_cast %parallel_loop3A_653 : i32 to index
        %parallel_loop3A_667 = arith.constant 16 : index
        %parallel_loop3A_668 = tpu.vector_load %arg7[%parallel_loop3A_666, %parallel_loop3A_667] {strides = array<i32>} : memref<128x32xf32, #tpu.memory_space<vmem>>, vector<16xf32>,
        tpu.vector_store_idx %arg11[%parallel_loop3A_665, %parallel_loop3A_654], %parallel_loop3A_668 : memref<32x128xf32, #tpu.memory_space<vmem>>[vector<16xi32>, vector<16xi32>], vector<16xf32>,
      } {sc.loop_unroll_factor = 8 : i64, sc.parallel_access}
      %add3A_414 = arith.constant 4 : i32
      %add3A_415 = arith.addi %add3A_398, %add3A_414 : i32
      %lt3A_416 = arith.constant 200 : i32
      %lt3A_417 = arith.cmpi slt, %add3A_415, %lt3A_416 : i32
      %convert_element_type3A_418 = arith.extui %lt3A_417 : i1 to i32
      %cond3A_419 = arith.constant 0 : i32
      %cond3A_420 = arith.cmpi ne, %convert_element_type3A_418, %cond3A_419 : i32
      scf.if %cond3A_420 {
        %add3A_653 = arith.constant 4 : i32
        %add3A_654 = arith.addi %add3A_398, %add3A_653 : i32
        %dma_start3A_655 = arith.constant 0 : i32
        %dma_start3A_656 = tpu.memref_slice %arg5[%add3A_654, %dma_start3A_655] : memref<200x128xi32, #tpu.memory_space<vmem>> -> memref<1x128xi32, #tpu.memory_space<vmem>>
        %dma_start3A_657 = tpu.memref_squeeze %dma_start3A_656 : memref<1x128xi32, #tpu.memory_space<vmem>> -> memref<128xi32, #tpu.memory_space<vmem>>
        %dma_start3A_658 = arith.constant 0 : i32
        %dma_start3A_659 = arith.constant 0 : i32
        %dma_start3A_660 = tpu.memref_slice %arg2[%dma_start3A_658, %dma_start3A_659] : memref<1000000x32xf32, #tpu.memory_space<hbm>> -> memref<1000000x32xf32, #tpu.memory_space<hbm>>
        tpu.enqueue_indirect_dma source(%dma_start3A_660 : memref<1000000x32xf32, #tpu.memory_space<hbm>>) target(%arg7 : memref<128x32xf32, #tpu.memory_space<vmem>>) offsets(%dma_start3A_657 : memref<128xi32, #tpu.memory_space<vmem>>) semaphore(%arg15 : memref<!tpu.dma_semaphore, #tpu.memory_space<semaphore_mem>>)
      } else {
      }
      %dma_start3A_421 = arith.constant 0 : i32
      %dma_start3A_422 = arith.constant 0 : i32
      %dma_start3A_423 = arith.constant 0 : i32
      %dma_start3A_424 = tpu.memref_slice %arg11[%dma_start3A_422, %dma_start3A_423] : memref<32x128xf32, #tpu.memory_space<vmem>> -> memref<8x128xf32, #tpu.memory_space<vmem>>
      %dma_start3A_425 = arith.constant 0 : i32
      %dma_start3A_426 = arith.constant 0 : i32
      %dma_start3A_427 = tpu.memref_slice %arg4[%add3A_398, %dma_start3A_421, %add3A, %dma_start3A_425, %dma_start3A_426] : memref<200x4x32x8x128xf32, #tpu.memory_space<hbm>> -> memref<1x1x1x8x128xf32, #tpu.memory_space<hbm>>
      %dma_start3A_428 = tpu.memref_squeeze %dma_start3A_427 : memref<1x1x1x8x128xf32, #tpu.memory_space<hbm>> -> memref<8x128xf32, #tpu.memory_space<hbm>>
      %dma_start3A_429 = arith.constant 0 : i32
      %dma_start3A_430 = arith.constant 0 : i32
      %dma_start3A_431 = tpu.memref_slice %arg4[%add3A_398, %dma_start3A_421, %add3A, %dma_start3A_429, %dma_start3A_430] : memref<200x4x32x8x128xf32, #tpu.memory_space<hbm>> -> memref<1x1x1x8x128xf32, #tpu.memory_space<hbm>>
      %dma_start3A_432 = tpu.memref_squeeze %dma_start3A_431 : memref<1x1x1x8x128xf32, #tpu.memory_space<hbm>> -> memref<8x128xf32, #tpu.memory_space<hbm>>
      %dma_start3A_433 = arith.constant 0 : i32
      %dma_start3A_434 = arith.constant 0 : i32
      %dma_start3A_435 = tpu.memref_slice %arg11[%dma_start3A_433, %dma_start3A_434] : memref<32x128xf32, #tpu.memory_space<vmem>> -> memref<8x128xf32, #tpu.memory_space<vmem>>
      tpu.enqueue_dma source(%dma_start3A_435 : memref<8x128xf32, #tpu.memory_space<vmem>>) target(%dma_start3A_432 : memref<8x128xf32, #tpu.memory_space<hbm>>) target_semaphore(%arg19 : memref<!tpu.dma_semaphore, #tpu.memory_space<semaphore_mem>>)
      %dma_start3A_436 = arith.constant 1 : i32
      %dma_start3A_437 = arith.constant 8 : i32
      %dma_start3A_438 = arith.constant 0 : i32
      %dma_start3A_439 = tpu.memref_slice %arg11[%dma_start3A_437, %dma_start3A_438] : memref<32x128xf32, #tpu.memory_space<vmem>> -> memref<8x128xf32, #tpu.memory_space<vmem>>
      %dma_start3A_440 = arith.constant 0 : i32
      %dma_start3A_441 = arith.constant 0 : i32
      %dma_start3A_442 = tpu.memref_slice %arg4[%add3A_398, %dma_start3A_436, %add3A, %dma_start3A_440, %dma_start3A_441] : memref<200x4x32x8x128xf32, #tpu.memory_space<hbm>> -> memref<1x1x1x8x128xf32, #tpu.memory_space<hbm>>
      %dma_start3A_443 = tpu.memref_squeeze %dma_start3A_442 : memref<1x1x1x8x128xf32, #tpu.memory_space<hbm>> -> memref<8x128xf32, #tpu.memory_space<hbm>>
      %dma_start3A_444 = arith.constant 0 : i32
      %dma_start3A_445 = arith.constant 0 : i32
      %dma_start3A_446 = tpu.memref_slice %arg4[%add3A_398, %dma_start3A_436, %add3A, %dma_start3A_444, %dma_start3A_445] : memref<200x4x32x8x128xf32, #tpu.memory_space<hbm>> -> memref<1x1x1x8x128xf32, #tpu.memory_space<hbm>>
      %dma_start3A_447 = tpu.memref_squeeze %dma_start3A_446 : memref<1x1x1x8x128xf32, #tpu.memory_space<hbm>> -> memref<8x128xf32, #tpu.memory_space<hbm>>
      %dma_start3A_448 = arith.constant 8 : i32
      %dma_start3A_449 = arith.constant 0 : i32
      %dma_start3A_450 = tpu.memref_slice %arg11[%dma_start3A_448, %dma_start3A_449] : memref<32x128xf32, #tpu.memory_space<vmem>> -> memref<8x128xf32, #tpu.memory_space<vmem>>
      tpu.enqueue_dma source(%dma_start3A_450 : memref<8x128xf32, #tpu.memory_space<vmem>>) target(%dma_start3A_447 : memref<8x128xf32, #tpu.memory_space<hbm>>) target_semaphore(%arg19 : memref<!tpu.dma_semaphore, #tpu.memory_space<semaphore_mem>>)
      %dma_start3A_451 = arith.constant 2 : i32
      %dma_start3A_452 = arith.constant 16 : i32
      %dma_start3A_453 = arith.constant 0 : i32
      %dma_start3A_454 = tpu.memref_slice %arg11[%dma_start3A_452, %dma_start3A_453] : memref<32x128xf32, #tpu.memory_space<vmem>> -> memref<8x128xf32, #tpu.memory_space<vmem>>
      %dma_start3A_455 = arith.constant 0 : i32
      %dma_start3A_456 = arith.constant 0 : i32
      %dma_start3A_457 = tpu.memref_slice %arg4[%add3A_398, %dma_start3A_451, %add3A, %dma_start3A_455, %dma_start3A_456] : memref<200x4x32x8x128xf32, #tpu.memory_space<hbm>> -> memref<1x1x1x8x128xf32, #tpu.memory_space<hbm>>
      %dma_start3A_458 = tpu.memref_squeeze %dma_start3A_457 : memref<1x1x1x8x128xf32, #tpu.memory_space<hbm>> -> memref<8x128xf32, #tpu.memory_space<hbm>>
      %dma_start3A_459 = arith.constant 0 : i32
      %dma_start3A_460 = arith.constant 0 : i32
      %dma_start3A_461 = tpu.memref_slice %arg4[%add3A_398, %dma_start3A_451, %add3A, %dma_start3A_459, %dma_start3A_460] : memref<200x4x32x8x128xf32, #tpu.memory_space<hbm>> -> memref<1x1x1x8x128xf32, #tpu.memory_space<hbm>>
      %dma_start3A_462 = tpu.memref_squeeze %dma_start3A_461 : memref<1x1x1x8x128xf32, #tpu.memory_space<hbm>> -> memref<8x128xf32, #tpu.memory_space<hbm>>
      %dma_start3A_463 = arith.constant 16 : i32
      %dma_start3A_464 = arith.constant 0 : i32
      %dma_start3A_465 = tpu.memref_slice %arg11[%dma_start3A_463, %dma_start3A_464] : memref<32x128xf32, #tpu.memory_space<vmem>> -> memref<8x128xf32, #tpu.memory_space<vmem>>
      tpu.enqueue_dma source(%dma_start3A_465 : memref<8x128xf32, #tpu.memory_space<vmem>>) target(%dma_start3A_462 : memref<8x128xf32, #tpu.memory_space<hbm>>) target_semaphore(%arg19 : memref<!tpu.dma_semaphore, #tpu.memory_space<semaphore_mem>>)
      %dma_start3A_466 = arith.constant 3 : i32
      %dma_start3A_467 = arith.constant 24 : i32
      %dma_start3A_468 = arith.constant 0 : i32
      %dma_start3A_469 = tpu.memref_slice %arg11[%dma_start3A_467, %dma_start3A_468] : memref<32x128xf32, #tpu.memory_space<vmem>> -> memref<8x128xf32, #tpu.memory_space<vmem>>
      %dma_start3A_470 = arith.constant 0 : i32
      %dma_start3A_471 = arith.constant 0 : i32
      %dma_start3A_472 = tpu.memref_slice %arg4[%add3A_398, %dma_start3A_466, %add3A, %dma_start3A_470, %dma_start3A_471] : memref<200x4x32x8x128xf32, #tpu.memory_space<hbm>> -> memref<1x1x1x8x128xf32, #tpu.memory_space<hbm>>
      %dma_start3A_473 = tpu.memref_squeeze %dma_start3A_472 : memref<1x1x1x8x128xf32, #tpu.memory_space<hbm>> -> memref<8x128xf32, #tpu.memory_space<hbm>>
      %dma_start3A_474 = arith.constant 0 : i32
      %dma_start3A_475 = arith.constant 0 : i32
      %dma_start3A_476 = tpu.memref_slice %arg4[%add3A_398, %dma_start3A_466, %add3A, %dma_start3A_474, %dma_start3A_475] : memref<200x4x32x8x128xf32, #tpu.memory_space<hbm>> -> memref<1x1x1x8x128xf32, #tpu.memory_space<hbm>>
      %dma_start3A_477 = tpu.memref_squeeze %dma_start3A_476 : memref<1x1x1x8x128xf32, #tpu.memory_space<hbm>> -> memref<8x128xf32, #tpu.memory_space<hbm>>
      %dma_start3A_478 = arith.constant 24 : i32
      %dma_start3A_479 = arith.constant 0 : i32
      %dma_start3A_480 = tpu.memref_slice %arg11[%dma_start3A_478, %dma_start3A_479] : memref<32x128xf32, #tpu.memory_space<vmem>> -> memref<8x128xf32, #tpu.memory_space<vmem>>
      tpu.enqueue_dma source(%dma_start3A_480 : memref<8x128xf32, #tpu.memory_space<vmem>>) target(%dma_start3A_477 : memref<8x128xf32, #tpu.memory_space<hbm>>) target_semaphore(%arg19 : memref<!tpu.dma_semaphore, #tpu.memory_space<semaphore_mem>>)
      %mul3A_481 = arith.constant 4 : i32
      %mul3A_482 = arith.muli %scan3A_306, %mul3A_481 : i32
      %add3A_483 = arith.constant 2 : i32
      %add3A_484 = arith.addi %mul3A_482, %add3A_483 : i32
      %dma_wait3A_485 = arith.constant 0 : i32
      %dma_wait3A_486 = arith.constant 0 : i32
      %dma_wait3A_487 = tpu.memref_slice %arg5[%dma_wait3A_485, %dma_wait3A_486] : memref<200x128xi32, #tpu.memory_space<vmem>> -> memref<1x128xi32, #tpu.memory_space<vmem>>
      %dma_wait3A_488 = tpu.memref_squeeze %dma_wait3A_487 : memref<1x128xi32, #tpu.memory_space<vmem>> -> memref<128xi32, #tpu.memory_space<vmem>>
      %dma_wait3A_489 = arith.constant 0 : i32
      %dma_wait3A_490 = arith.constant 0 : i32
      %dma_wait3A_491 = tpu.memref_slice %arg2[%dma_wait3A_489, %dma_wait3A_490] : memref<1000000x32xf32, #tpu.memory_space<hbm>> -> memref<1000000x32xf32, #tpu.memory_space<hbm>>
      tpu.wait_indirect_dma semaphore(%arg16 : memref<!tpu.dma_semaphore, #tpu.memory_space<semaphore_mem>>) src(%dma_wait3A_491 : memref<1000000x32xf32, #tpu.memory_space<hbm>>) dst(%arg8 : memref<128x32xf32, #tpu.memory_space<vmem>>)
      %ge3A_492 = arith.constant 4 : i32
      %ge3A_493 = arith.cmpi sge, %add3A_484, %ge3A_492 : i32
      %convert_element_type3A_494 = arith.extui %ge3A_493 : i1 to i32
      %cond3A_495 = arith.constant 0 : i32
      %cond3A_496 = arith.cmpi ne, %convert_element_type3A_494, %cond3A_495 : i32
      scf.if %cond3A_496 {
        %dma_wait3A_653 = arith.constant 0 : i32
        %dma_wait3A_654 = arith.constant 0 : i32
        %dma_wait3A_655 = arith.constant 0 : i32
        %dma_wait3A_656 = arith.constant 0 : i32
        %dma_wait3A_657 = arith.constant 0 : i32
        %dma_wait3A_658 = tpu.memref_slice %arg12[%dma_wait3A_656, %dma_wait3A_657] : memref<32x128xf32, #tpu.memory_space<vmem>> -> memref<8x128xf32, #tpu.memory_space<vmem>>
        %dma_wait3A_659 = arith.constant 0 : i32
        %dma_wait3A_660 = arith.constant 0 : i32
        %dma_wait3A_661 = tpu.memref_slice %arg4[%dma_wait3A_653, %dma_wait3A_654, %dma_wait3A_655, %dma_wait3A_659, %dma_wait3A_660] : memref<200x4x32x8x128xf32, #tpu.memory_space<hbm>> -> memref<1x1x1x8x128xf32, #tpu.memory_space<hbm>>
        %dma_wait3A_662 = tpu.memref_squeeze %dma_wait3A_661 : memref<1x1x1x8x128xf32, #tpu.memory_space<hbm>> -> memref<8x128xf32, #tpu.memory_space<hbm>>
        %dma_wait3A_663 = arith.constant 0 : i32
        %dma_wait3A_664 = arith.constant 0 : i32
        %dma_wait3A_665 = tpu.memref_slice %arg4[%dma_wait3A_653, %dma_wait3A_654, %dma_wait3A_655, %dma_wait3A_663, %dma_wait3A_664] : memref<200x4x32x8x128xf32, #tpu.memory_space<hbm>> -> memref<1x1x1x8x128xf32, #tpu.memory_space<hbm>>
        %dma_wait3A_666 = tpu.memref_squeeze %dma_wait3A_665 : memref<1x1x1x8x128xf32, #tpu.memory_space<hbm>> -> memref<8x128xf32, #tpu.memory_space<hbm>>
        %dma_wait3A_667 = arith.constant 0 : i32
        %dma_wait3A_668 = arith.constant 0 : i32
        %dma_wait3A_669 = tpu.memref_slice %arg12[%dma_wait3A_667, %dma_wait3A_668] : memref<32x128xf32, #tpu.memory_space<vmem>> -> memref<8x128xf32, #tpu.memory_space<vmem>>
        tpu.wait_dma2 semaphore(%arg20 : memref<!tpu.dma_semaphore, #tpu.memory_space<semaphore_mem>>) src(%dma_wait3A_669 : memref<8x128xf32, #tpu.memory_space<vmem>>) dst(%dma_wait3A_666 : memref<8x128xf32, #tpu.memory_space<hbm>>)
        %dma_wait3A_670 = arith.constant 0 : i32
        %dma_wait3A_671 = arith.constant 1 : i32
        %dma_wait3A_672 = arith.constant 0 : i32
        %dma_wait3A_673 = arith.constant 8 : i32
        %dma_wait3A_674 = arith.constant 0 : i32
        %dma_wait3A_675 = tpu.memref_slice %arg12[%dma_wait3A_673, %dma_wait3A_674] : memref<32x128xf32, #tpu.memory_space<vmem>> -> memref<8x128xf32, #tpu.memory_space<vmem>>
        %dma_wait3A_676 = arith.constant 0 : i32
        %dma_wait3A_677 = arith.constant 0 : i32
        %dma_wait3A_678 = tpu.memref_slice %arg4[%dma_wait3A_670, %dma_wait3A_671, %dma_wait3A_672, %dma_wait3A_676, %dma_wait3A_677] : memref<200x4x32x8x128xf32, #tpu.memory_space<hbm>> -> memref<1x1x1x8x128xf32, #tpu.memory_space<hbm>>
        %dma_wait3A_679 = tpu.memref_squeeze %dma_wait3A_678 : memref<1x1x1x8x128xf32, #tpu.memory_space<hbm>> -> memref<8x128xf32, #tpu.memory_space<hbm>>
        %dma_wait3A_680 = arith.constant 0 : i32
        %dma_wait3A_681 = arith.constant 0 : i32
        %dma_wait3A_682 = tpu.memref_slice %arg4[%dma_wait3A_670, %dma_wait3A_671, %dma_wait3A_672, %dma_wait3A_680, %dma_wait3A_681] : memref<200x4x32x8x128xf32, #tpu.memory_space<hbm>> -> memref<1x1x1x8x128xf32, #tpu.memory_space<hbm>>
        %dma_wait3A_683 = tpu.memref_squeeze %dma_wait3A_682 : memref<1x1x1x8x128xf32, #tpu.memory_space<hbm>> -> memref<8x128xf32, #tpu.memory_space<hbm>>
        %dma_wait3A_684 = arith.constant 8 : i32
        %dma_wait3A_685 = arith.constant 0 : i32
        %dma_wait3A_686 = tpu.memref_slice %arg12[%dma_wait3A_684, %dma_wait3A_685] : memref<32x128xf32, #tpu.memory_space<vmem>> -> memref<8x128xf32, #tpu.memory_space<vmem>>
        tpu.wait_dma2 semaphore(%arg20 : memref<!tpu.dma_semaphore, #tpu.memory_space<semaphore_mem>>) src(%dma_wait3A_686 : memref<8x128xf32, #tpu.memory_space<vmem>>) dst(%dma_wait3A_683 : memref<8x128xf32, #tpu.memory_space<hbm>>)
        %dma_wait3A_687 = arith.constant 0 : i32
        %dma_wait3A_688 = arith.constant 2 : i32
        %dma_wait3A_689 = arith.constant 0 : i32
        %dma_wait3A_690 = arith.constant 16 : i32
        %dma_wait3A_691 = arith.constant 0 : i32
        %dma_wait3A_692 = tpu.memref_slice %arg12[%dma_wait3A_690, %dma_wait3A_691] : memref<32x128xf32, #tpu.memory_space<vmem>> -> memref<8x128xf32, #tpu.memory_space<vmem>>
        %dma_wait3A_693 = arith.constant 0 : i32
        %dma_wait3A_694 = arith.constant 0 : i32
        %dma_wait3A_695 = tpu.memref_slice %arg4[%dma_wait3A_687, %dma_wait3A_688, %dma_wait3A_689, %dma_wait3A_693, %dma_wait3A_694] : memref<200x4x32x8x128xf32, #tpu.memory_space<hbm>> -> memref<1x1x1x8x128xf32, #tpu.memory_space<hbm>>
        %dma_wait3A_696 = tpu.memref_squeeze %dma_wait3A_695 : memref<1x1x1x8x128xf32, #tpu.memory_space<hbm>> -> memref<8x128xf32, #tpu.memory_space<hbm>>
        %dma_wait3A_697 = arith.constant 0 : i32
        %dma_wait3A_698 = arith.constant 0 : i32
        %dma_wait3A_699 = tpu.memref_slice %arg4[%dma_wait3A_687, %dma_wait3A_688, %dma_wait3A_689, %dma_wait3A_697, %dma_wait3A_698] : memref<200x4x32x8x128xf32, #tpu.memory_space<hbm>> -> memref<1x1x1x8x128xf32, #tpu.memory_space<hbm>>
        %dma_wait3A_700 = tpu.memref_squeeze %dma_wait3A_699 : memref<1x1x1x8x128xf32, #tpu.memory_space<hbm>> -> memref<8x128xf32, #tpu.memory_space<hbm>>
        %dma_wait3A_701 = arith.constant 16 : i32
        %dma_wait3A_702 = arith.constant 0 : i32
        %dma_wait3A_703 = tpu.memref_slice %arg12[%dma_wait3A_701, %dma_wait3A_702] : memref<32x128xf32, #tpu.memory_space<vmem>> -> memref<8x128xf32, #tpu.memory_space<vmem>>
        tpu.wait_dma2 semaphore(%arg20 : memref<!tpu.dma_semaphore, #tpu.memory_space<semaphore_mem>>) src(%dma_wait3A_703 : memref<8x128xf32, #tpu.memory_space<vmem>>) dst(%dma_wait3A_700 : memref<8x128xf32, #tpu.memory_space<hbm>>)
        %dma_wait3A_704 = arith.constant 0 : i32
        %dma_wait3A_705 = arith.constant 3 : i32
        %dma_wait3A_706 = arith.constant 0 : i32
        %dma_wait3A_707 = arith.constant 24 : i32
        %dma_wait3A_708 = arith.constant 0 : i32
        %dma_wait3A_709 = tpu.memref_slice %arg12[%dma_wait3A_707, %dma_wait3A_708] : memref<32x128xf32, #tpu.memory_space<vmem>> -> memref<8x128xf32, #tpu.memory_space<vmem>>
        %dma_wait3A_710 = arith.constant 0 : i32
        %dma_wait3A_711 = arith.constant 0 : i32
        %dma_wait3A_712 = tpu.memref_slice %arg4[%dma_wait3A_704, %dma_wait3A_705, %dma_wait3A_706, %dma_wait3A_710, %dma_wait3A_711] : memref<200x4x32x8x128xf32, #tpu.memory_space<hbm>> -> memref<1x1x1x8x128xf32, #tpu.memory_space<hbm>>
        %dma_wait3A_713 = tpu.memref_squeeze %dma_wait3A_712 : memref<1x1x1x8x128xf32, #tpu.memory_space<hbm>> -> memref<8x128xf32, #tpu.memory_space<hbm>>
        %dma_wait3A_714 = arith.constant 0 : i32
        %dma_wait3A_715 = arith.constant 0 : i32
        %dma_wait3A_716 = tpu.memref_slice %arg4[%dma_wait3A_704, %dma_wait3A_705, %dma_wait3A_706, %dma_wait3A_714, %dma_wait3A_715] : memref<200x4x32x8x128xf32, #tpu.memory_space<hbm>> -> memref<1x1x1x8x128xf32, #tpu.memory_space<hbm>>
        %dma_wait3A_717 = tpu.memref_squeeze %dma_wait3A_716 : memref<1x1x1x8x128xf32, #tpu.memory_space<hbm>> -> memref<8x128xf32, #tpu.memory_space<hbm>>
        %dma_wait3A_718 = arith.constant 24 : i32
        %dma_wait3A_719 = arith.constant 0 : i32
        %dma_wait3A_720 = tpu.memref_slice %arg12[%dma_wait3A_718, %dma_wait3A_719] : memref<32x128xf32, #tpu.memory_space<vmem>> -> memref<8x128xf32, #tpu.memory_space<vmem>>
        tpu.wait_dma2 semaphore(%arg20 : memref<!tpu.dma_semaphore, #tpu.memory_space<semaphore_mem>>) src(%dma_wait3A_720 : memref<8x128xf32, #tpu.memory_space<vmem>>) dst(%dma_wait3A_717 : memref<8x128xf32, #tpu.memory_space<hbm>>)
      } else {
      }
      %parallel_loop3A_497 = arith.constant 0 : i32
      %parallel_loop3A_498 = arith.constant 128 : i32
      %parallel_loop3A_499 = arith.constant 1 : i32
      scf.for %parallel_loop3A_653 = %parallel_loop3A_497 to %parallel_loop3A_498 step %parallel_loop3A_499  : i32 {
        %parallel_loop3A_654 = vector.broadcast %parallel_loop3A_653 : i32 to vector<16xi32>
        %parallel_loop3A_655 = tpu.iota {dimensions = array<i32: 0>} : vector<16xi32>
        %parallel_loop3A_656 = arith.constant 0 : i32
        %parallel_loop3A_657 = vector.broadcast %parallel_loop3A_656 : i32 to vector<16xi32>
        %parallel_loop3A_658 = arith.addi %parallel_loop3A_657, %parallel_loop3A_655 : vector<16xi32>
        %parallel_loop3A_659 = arith.index_cast %parallel_loop3A_653 : i32 to index
        %parallel_loop3A_660 = arith.constant 0 : index
        %parallel_loop3A_661 = tpu.vector_load %arg8[%parallel_loop3A_659, %parallel_loop3A_660] {strides = array<i32>} : memref<128x32xf32, #tpu.memory_space<vmem>>, vector<16xf32>,
        tpu.vector_store_idx %arg12[%parallel_loop3A_658, %parallel_loop3A_654], %parallel_loop3A_661 : memref<32x128xf32, #tpu.memory_space<vmem>>[vector<16xi32>, vector<16xi32>], vector<16xf32>,
        %parallel_loop3A_662 = tpu.iota {dimensions = array<i32: 0>} : vector<16xi32>
        %parallel_loop3A_663 = arith.constant 16 : i32
        %parallel_loop3A_664 = vector.broadcast %parallel_loop3A_663 : i32 to vector<16xi32>
        %parallel_loop3A_665 = arith.addi %parallel_loop3A_664, %parallel_loop3A_662 : vector<16xi32>
        %parallel_loop3A_666 = arith.index_cast %parallel_loop3A_653 : i32 to index
        %parallel_loop3A_667 = arith.constant 16 : index
        %parallel_loop3A_668 = tpu.vector_load %arg8[%parallel_loop3A_666, %parallel_loop3A_667] {strides = array<i32>} : memref<128x32xf32, #tpu.memory_space<vmem>>, vector<16xf32>,
        tpu.vector_store_idx %arg12[%parallel_loop3A_665, %parallel_loop3A_654], %parallel_loop3A_668 : memref<32x128xf32, #tpu.memory_space<vmem>>[vector<16xi32>, vector<16xi32>], vector<16xf32>,
      } {sc.loop_unroll_factor = 8 : i64, sc.parallel_access}
      %add3A_500 = arith.constant 4 : i32
      %add3A_501 = arith.addi %add3A_484, %add3A_500 : i32
      %lt3A_502 = arith.constant 200 : i32
      %lt3A_503 = arith.cmpi slt, %add3A_501, %lt3A_502 : i32
      %convert_element_type3A_504 = arith.extui %lt3A_503 : i1 to i32
      %cond3A_505 = arith.constant 0 : i32
      %cond3A_506 = arith.cmpi ne, %convert_element_type3A_504, %cond3A_505 : i32
      scf.if %cond3A_506 {
        %add3A_653 = arith.constant 4 : i32
        %add3A_654 = arith.addi %add3A_484, %add3A_653 : i32
        %dma_start3A_655 = arith.constant 0 : i32
        %dma_start3A_656 = tpu.memref_slice %arg5[%add3A_654, %dma_start3A_655] : memref<200x128xi32, #tpu.memory_space<vmem>> -> memref<1x128xi32, #tpu.memory_space<vmem>>
        %dma_start3A_657 = tpu.memref_squeeze %dma_start3A_656 : memref<1x128xi32, #tpu.memory_space<vmem>> -> memref<128xi32, #tpu.memory_space<vmem>>
        %dma_start3A_658 = arith.constant 0 : i32
        %dma_start3A_659 = arith.constant 0 : i32
        %dma_start3A_660 = tpu.memref_slice %arg2[%dma_start3A_658, %dma_start3A_659] : memref<1000000x32xf32, #tpu.memory_space<hbm>> -> memref<1000000x32xf32, #tpu.memory_space<hbm>>
        tpu.enqueue_indirect_dma source(%dma_start3A_660 : memref<1000000x32xf32, #tpu.memory_space<hbm>>) target(%arg8 : memref<128x32xf32, #tpu.memory_space<vmem>>) offsets(%dma_start3A_657 : memref<128xi32, #tpu.memory_space<vmem>>) semaphore(%arg16 : memref<!tpu.dma_semaphore, #tpu.memory_space<semaphore_mem>>)
      } else {
      }
      %dma_start3A_507 = arith.constant 0 : i32
      %dma_start3A_508 = arith.constant 0 : i32
      %dma_start3A_509 = arith.constant 0 : i32
      %dma_start3A_510 = tpu.memref_slice %arg12[%dma_start3A_508, %dma_start3A_509] : memref<32x128xf32, #tpu.memory_space<vmem>> -> memref<8x128xf32, #tpu.memory_space<vmem>>
      %dma_start3A_511 = arith.constant 0 : i32
      %dma_start3A_512 = arith.constant 0 : i32
      %dma_start3A_513 = tpu.memref_slice %arg4[%add3A_484, %dma_start3A_507, %add3A, %dma_start3A_511, %dma_start3A_512] : memref<200x4x32x8x128xf32, #tpu.memory_space<hbm>> -> memref<1x1x1x8x128xf32, #tpu.memory_space<hbm>>
      %dma_start3A_514 = tpu.memref_squeeze %dma_start3A_513 : memref<1x1x1x8x128xf32, #tpu.memory_space<hbm>> -> memref<8x128xf32, #tpu.memory_space<hbm>>
      %dma_start3A_515 = arith.constant 0 : i32
      %dma_start3A_516 = arith.constant 0 : i32
      %dma_start3A_517 = tpu.memref_slice %arg4[%add3A_484, %dma_start3A_507, %add3A, %dma_start3A_515, %dma_start3A_516] : memref<200x4x32x8x128xf32, #tpu.memory_space<hbm>> -> memref<1x1x1x8x128xf32, #tpu.memory_space<hbm>>
      %dma_start3A_518 = tpu.memref_squeeze %dma_start3A_517 : memref<1x1x1x8x128xf32, #tpu.memory_space<hbm>> -> memref<8x128xf32, #tpu.memory_space<hbm>>
      %dma_start3A_519 = arith.constant 0 : i32
      %dma_start3A_520 = arith.constant 0 : i32
      %dma_start3A_521 = tpu.memref_slice %arg12[%dma_start3A_519, %dma_start3A_520] : memref<32x128xf32, #tpu.memory_space<vmem>> -> memref<8x128xf32, #tpu.memory_space<vmem>>
      tpu.enqueue_dma source(%dma_start3A_521 : memref<8x128xf32, #tpu.memory_space<vmem>>) target(%dma_start3A_518 : memref<8x128xf32, #tpu.memory_space<hbm>>) target_semaphore(%arg20 : memref<!tpu.dma_semaphore, #tpu.memory_space<semaphore_mem>>)
      %dma_start3A_522 = arith.constant 1 : i32
      %dma_start3A_523 = arith.constant 8 : i32
      %dma_start3A_524 = arith.constant 0 : i32
      %dma_start3A_525 = tpu.memref_slice %arg12[%dma_start3A_523, %dma_start3A_524] : memref<32x128xf32, #tpu.memory_space<vmem>> -> memref<8x128xf32, #tpu.memory_space<vmem>>
      %dma_start3A_526 = arith.constant 0 : i32
      %dma_start3A_527 = arith.constant 0 : i32
      %dma_start3A_528 = tpu.memref_slice %arg4[%add3A_484, %dma_start3A_522, %add3A, %dma_start3A_526, %dma_start3A_527] : memref<200x4x32x8x128xf32, #tpu.memory_space<hbm>> -> memref<1x1x1x8x128xf32, #tpu.memory_space<hbm>>
      %dma_start3A_529 = tpu.memref_squeeze %dma_start3A_528 : memref<1x1x1x8x128xf32, #tpu.memory_space<hbm>> -> memref<8x128xf32, #tpu.memory_space<hbm>>
      %dma_start3A_530 = arith.constant 0 : i32
      %dma_start3A_531 = arith.constant 0 : i32
      %dma_start3A_532 = tpu.memref_slice %arg4[%add3A_484, %dma_start3A_522, %add3A, %dma_start3A_530, %dma_start3A_531] : memref<200x4x32x8x128xf32, #tpu.memory_space<hbm>> -> memref<1x1x1x8x128xf32, #tpu.memory_space<hbm>>
      %dma_start3A_533 = tpu.memref_squeeze %dma_start3A_532 : memref<1x1x1x8x128xf32, #tpu.memory_space<hbm>> -> memref<8x128xf32, #tpu.memory_space<hbm>>
      %dma_start3A_534 = arith.constant 8 : i32
      %dma_start3A_535 = arith.constant 0 : i32
      %dma_start3A_536 = tpu.memref_slice %arg12[%dma_start3A_534, %dma_start3A_535] : memref<32x128xf32, #tpu.memory_space<vmem>> -> memref<8x128xf32, #tpu.memory_space<vmem>>
      tpu.enqueue_dma source(%dma_start3A_536 : memref<8x128xf32, #tpu.memory_space<vmem>>) target(%dma_start3A_533 : memref<8x128xf32, #tpu.memory_space<hbm>>) target_semaphore(%arg20 : memref<!tpu.dma_semaphore, #tpu.memory_space<semaphore_mem>>)
      %dma_start3A_537 = arith.constant 2 : i32
      %dma_start3A_538 = arith.constant 16 : i32
      %dma_start3A_539 = arith.constant 0 : i32
      %dma_start3A_540 = tpu.memref_slice %arg12[%dma_start3A_538, %dma_start3A_539] : memref<32x128xf32, #tpu.memory_space<vmem>> -> memref<8x128xf32, #tpu.memory_space<vmem>>
      %dma_start3A_541 = arith.constant 0 : i32
      %dma_start3A_542 = arith.constant 0 : i32
      %dma_start3A_543 = tpu.memref_slice %arg4[%add3A_484, %dma_start3A_537, %add3A, %dma_start3A_541, %dma_start3A_542] : memref<200x4x32x8x128xf32, #tpu.memory_space<hbm>> -> memref<1x1x1x8x128xf32, #tpu.memory_space<hbm>>
      %dma_start3A_544 = tpu.memref_squeeze %dma_start3A_543 : memref<1x1x1x8x128xf32, #tpu.memory_space<hbm>> -> memref<8x128xf32, #tpu.memory_space<hbm>>
      %dma_start3A_545 = arith.constant 0 : i32
      %dma_start3A_546 = arith.constant 0 : i32
      %dma_start3A_547 = tpu.memref_slice %arg4[%add3A_484, %dma_start3A_537, %add3A, %dma_start3A_545, %dma_start3A_546] : memref<200x4x32x8x128xf32, #tpu.memory_space<hbm>> -> memref<1x1x1x8x128xf32, #tpu.memory_space<hbm>>
      %dma_start3A_548 = tpu.memref_squeeze %dma_start3A_547 : memref<1x1x1x8x128xf32, #tpu.memory_space<hbm>> -> memref<8x128xf32, #tpu.memory_space<hbm>>
      %dma_start3A_549 = arith.constant 16 : i32
      %dma_start3A_550 = arith.constant 0 : i32
      %dma_start3A_551 = tpu.memref_slice %arg12[%dma_start3A_549, %dma_start3A_550] : memref<32x128xf32, #tpu.memory_space<vmem>> -> memref<8x128xf32, #tpu.memory_space<vmem>>
      tpu.enqueue_dma source(%dma_start3A_551 : memref<8x128xf32, #tpu.memory_space<vmem>>) target(%dma_start3A_548 : memref<8x128xf32, #tpu.memory_space<hbm>>) target_semaphore(%arg20 : memref<!tpu.dma_semaphore, #tpu.memory_space<semaphore_mem>>)
      %dma_start3A_552 = arith.constant 3 : i32
      %dma_start3A_553 = arith.constant 24 : i32
      %dma_start3A_554 = arith.constant 0 : i32
      %dma_start3A_555 = tpu.memref_slice %arg12[%dma_start3A_553, %dma_start3A_554] : memref<32x128xf32, #tpu.memory_space<vmem>> -> memref<8x128xf32, #tpu.memory_space<vmem>>
      %dma_start3A_556 = arith.constant 0 : i32
      %dma_start3A_557 = arith.constant 0 : i32
      %dma_start3A_558 = tpu.memref_slice %arg4[%add3A_484, %dma_start3A_552, %add3A, %dma_start3A_556, %dma_start3A_557] : memref<200x4x32x8x128xf32, #tpu.memory_space<hbm>> -> memref<1x1x1x8x128xf32, #tpu.memory_space<hbm>>
      %dma_start3A_559 = tpu.memref_squeeze %dma_start3A_558 : memref<1x1x1x8x128xf32, #tpu.memory_space<hbm>> -> memref<8x128xf32, #tpu.memory_space<hbm>>
      %dma_start3A_560 = arith.constant 0 : i32
      %dma_start3A_561 = arith.constant 0 : i32
      %dma_start3A_562 = tpu.memref_slice %arg4[%add3A_484, %dma_start3A_552, %add3A, %dma_start3A_560, %dma_start3A_561] : memref<200x4x32x8x128xf32, #tpu.memory_space<hbm>> -> memref<1x1x1x8x128xf32, #tpu.memory_space<hbm>>
      %dma_start3A_563 = tpu.memref_squeeze %dma_start3A_562 : memref<1x1x1x8x128xf32, #tpu.memory_space<hbm>> -> memref<8x128xf32, #tpu.memory_space<hbm>>
      %dma_start3A_564 = arith.constant 24 : i32
      %dma_start3A_565 = arith.constant 0 : i32
      %dma_start3A_566 = tpu.memref_slice %arg12[%dma_start3A_564, %dma_start3A_565] : memref<32x128xf32, #tpu.memory_space<vmem>> -> memref<8x128xf32, #tpu.memory_space<vmem>>
      tpu.enqueue_dma source(%dma_start3A_566 : memref<8x128xf32, #tpu.memory_space<vmem>>) target(%dma_start3A_563 : memref<8x128xf32, #tpu.memory_space<hbm>>) target_semaphore(%arg20 : memref<!tpu.dma_semaphore, #tpu.memory_space<semaphore_mem>>)
      %mul3A_567 = arith.constant 4 : i32
      %mul3A_568 = arith.muli %scan3A_306, %mul3A_567 : i32
      %add3A_569 = arith.constant 3 : i32
      %add3A_570 = arith.addi %mul3A_568, %add3A_569 : i32
      %dma_wait3A_571 = arith.constant 0 : i32
      %dma_wait3A_572 = arith.constant 0 : i32
      %dma_wait3A_573 = tpu.memref_slice %arg5[%dma_wait3A_571, %dma_wait3A_572] : memref<200x128xi32, #tpu.memory_space<vmem>> -> memref<1x128xi32, #tpu.memory_space<vmem>>
      %dma_wait3A_574 = tpu.memref_squeeze %dma_wait3A_573 : memref<1x128xi32, #tpu.memory_space<vmem>> -> memref<128xi32, #tpu.memory_space<vmem>>
      %dma_wait3A_575 = arith.constant 0 : i32
      %dma_wait3A_576 = arith.constant 0 : i32
      %dma_wait3A_577 = tpu.memref_slice %arg2[%dma_wait3A_575, %dma_wait3A_576] : memref<1000000x32xf32, #tpu.memory_space<hbm>> -> memref<1000000x32xf32, #tpu.memory_space<hbm>>
      tpu.wait_indirect_dma semaphore(%arg17 : memref<!tpu.dma_semaphore, #tpu.memory_space<semaphore_mem>>) src(%dma_wait3A_577 : memref<1000000x32xf32, #tpu.memory_space<hbm>>) dst(%arg9 : memref<128x32xf32, #tpu.memory_space<vmem>>)
      %ge3A_578 = arith.constant 4 : i32
      %ge3A_579 = arith.cmpi sge, %add3A_570, %ge3A_578 : i32
      %convert_element_type3A_580 = arith.extui %ge3A_579 : i1 to i32
      %cond3A_581 = arith.constant 0 : i32
      %cond3A_582 = arith.cmpi ne, %convert_element_type3A_580, %cond3A_581 : i32
      scf.if %cond3A_582 {
        %dma_wait3A_653 = arith.constant 0 : i32
        %dma_wait3A_654 = arith.constant 0 : i32
        %dma_wait3A_655 = arith.constant 0 : i32
        %dma_wait3A_656 = arith.constant 0 : i32
        %dma_wait3A_657 = arith.constant 0 : i32
        %dma_wait3A_658 = tpu.memref_slice %arg13[%dma_wait3A_656, %dma_wait3A_657] : memref<32x128xf32, #tpu.memory_space<vmem>> -> memref<8x128xf32, #tpu.memory_space<vmem>>
        %dma_wait3A_659 = arith.constant 0 : i32
        %dma_wait3A_660 = arith.constant 0 : i32
        %dma_wait3A_661 = tpu.memref_slice %arg4[%dma_wait3A_653, %dma_wait3A_654, %dma_wait3A_655, %dma_wait3A_659, %dma_wait3A_660] : memref<200x4x32x8x128xf32, #tpu.memory_space<hbm>> -> memref<1x1x1x8x128xf32, #tpu.memory_space<hbm>>
        %dma_wait3A_662 = tpu.memref_squeeze %dma_wait3A_661 : memref<1x1x1x8x128xf32, #tpu.memory_space<hbm>> -> memref<8x128xf32, #tpu.memory_space<hbm>>
        %dma_wait3A_663 = arith.constant 0 : i32
        %dma_wait3A_664 = arith.constant 0 : i32
        %dma_wait3A_665 = tpu.memref_slice %arg4[%dma_wait3A_653, %dma_wait3A_654, %dma_wait3A_655, %dma_wait3A_663, %dma_wait3A_664] : memref<200x4x32x8x128xf32, #tpu.memory_space<hbm>> -> memref<1x1x1x8x128xf32, #tpu.memory_space<hbm>>
        %dma_wait3A_666 = tpu.memref_squeeze %dma_wait3A_665 : memref<1x1x1x8x128xf32, #tpu.memory_space<hbm>> -> memref<8x128xf32, #tpu.memory_space<hbm>>
        %dma_wait3A_667 = arith.constant 0 : i32
        %dma_wait3A_668 = arith.constant 0 : i32
        %dma_wait3A_669 = tpu.memref_slice %arg13[%dma_wait3A_667, %dma_wait3A_668] : memref<32x128xf32, #tpu.memory_space<vmem>> -> memref<8x128xf32, #tpu.memory_space<vmem>>
        tpu.wait_dma2 semaphore(%arg21 : memref<!tpu.dma_semaphore, #tpu.memory_space<semaphore_mem>>) src(%dma_wait3A_669 : memref<8x128xf32, #tpu.memory_space<vmem>>) dst(%dma_wait3A_666 : memref<8x128xf32, #tpu.memory_space<hbm>>)
        %dma_wait3A_670 = arith.constant 0 : i32
        %dma_wait3A_671 = arith.constant 1 : i32
        %dma_wait3A_672 = arith.constant 0 : i32
        %dma_wait3A_673 = arith.constant 8 : i32
        %dma_wait3A_674 = arith.constant 0 : i32
        %dma_wait3A_675 = tpu.memref_slice %arg13[%dma_wait3A_673, %dma_wait3A_674] : memref<32x128xf32, #tpu.memory_space<vmem>> -> memref<8x128xf32, #tpu.memory_space<vmem>>
        %dma_wait3A_676 = arith.constant 0 : i32
        %dma_wait3A_677 = arith.constant 0 : i32
        %dma_wait3A_678 = tpu.memref_slice %arg4[%dma_wait3A_670, %dma_wait3A_671, %dma_wait3A_672, %dma_wait3A_676, %dma_wait3A_677] : memref<200x4x32x8x128xf32, #tpu.memory_space<hbm>> -> memref<1x1x1x8x128xf32, #tpu.memory_space<hbm>>
        %dma_wait3A_679 = tpu.memref_squeeze %dma_wait3A_678 : memref<1x1x1x8x128xf32, #tpu.memory_space<hbm>> -> memref<8x128xf32, #tpu.memory_space<hbm>>
        %dma_wait3A_680 = arith.constant 0 : i32
        %dma_wait3A_681 = arith.constant 0 : i32
        %dma_wait3A_682 = tpu.memref_slice %arg4[%dma_wait3A_670, %dma_wait3A_671, %dma_wait3A_672, %dma_wait3A_680, %dma_wait3A_681] : memref<200x4x32x8x128xf32, #tpu.memory_space<hbm>> -> memref<1x1x1x8x128xf32, #tpu.memory_space<hbm>>
        %dma_wait3A_683 = tpu.memref_squeeze %dma_wait3A_682 : memref<1x1x1x8x128xf32, #tpu.memory_space<hbm>> -> memref<8x128xf32, #tpu.memory_space<hbm>>
        %dma_wait3A_684 = arith.constant 8 : i32
        %dma_wait3A_685 = arith.constant 0 : i32
        %dma_wait3A_686 = tpu.memref_slice %arg13[%dma_wait3A_684, %dma_wait3A_685] : memref<32x128xf32, #tpu.memory_space<vmem>> -> memref<8x128xf32, #tpu.memory_space<vmem>>
        tpu.wait_dma2 semaphore(%arg21 : memref<!tpu.dma_semaphore, #tpu.memory_space<semaphore_mem>>) src(%dma_wait3A_686 : memref<8x128xf32, #tpu.memory_space<vmem>>) dst(%dma_wait3A_683 : memref<8x128xf32, #tpu.memory_space<hbm>>)
        %dma_wait3A_687 = arith.constant 0 : i32
        %dma_wait3A_688 = arith.constant 2 : i32
        %dma_wait3A_689 = arith.constant 0 : i32
        %dma_wait3A_690 = arith.constant 16 : i32
        %dma_wait3A_691 = arith.constant 0 : i32
        %dma_wait3A_692 = tpu.memref_slice %arg13[%dma_wait3A_690, %dma_wait3A_691] : memref<32x128xf32, #tpu.memory_space<vmem>> -> memref<8x128xf32, #tpu.memory_space<vmem>>
        %dma_wait3A_693 = arith.constant 0 : i32
        %dma_wait3A_694 = arith.constant 0 : i32
        %dma_wait3A_695 = tpu.memref_slice %arg4[%dma_wait3A_687, %dma_wait3A_688, %dma_wait3A_689, %dma_wait3A_693, %dma_wait3A_694] : memref<200x4x32x8x128xf32, #tpu.memory_space<hbm>> -> memref<1x1x1x8x128xf32, #tpu.memory_space<hbm>>
        %dma_wait3A_696 = tpu.memref_squeeze %dma_wait3A_695 : memref<1x1x1x8x128xf32, #tpu.memory_space<hbm>> -> memref<8x128xf32, #tpu.memory_space<hbm>>
        %dma_wait3A_697 = arith.constant 0 : i32
        %dma_wait3A_698 = arith.constant 0 : i32
        %dma_wait3A_699 = tpu.memref_slice %arg4[%dma_wait3A_687, %dma_wait3A_688, %dma_wait3A_689, %dma_wait3A_697, %dma_wait3A_698] : memref<200x4x32x8x128xf32, #tpu.memory_space<hbm>> -> memref<1x1x1x8x128xf32, #tpu.memory_space<hbm>>
        %dma_wait3A_700 = tpu.memref_squeeze %dma_wait3A_699 : memref<1x1x1x8x128xf32, #tpu.memory_space<hbm>> -> memref<8x128xf32, #tpu.memory_space<hbm>>
        %dma_wait3A_701 = arith.constant 16 : i32
        %dma_wait3A_702 = arith.constant 0 : i32
        %dma_wait3A_703 = tpu.memref_slice %arg13[%dma_wait3A_701, %dma_wait3A_702] : memref<32x128xf32, #tpu.memory_space<vmem>> -> memref<8x128xf32, #tpu.memory_space<vmem>>
        tpu.wait_dma2 semaphore(%arg21 : memref<!tpu.dma_semaphore, #tpu.memory_space<semaphore_mem>>) src(%dma_wait3A_703 : memref<8x128xf32, #tpu.memory_space<vmem>>) dst(%dma_wait3A_700 : memref<8x128xf32, #tpu.memory_space<hbm>>)
        %dma_wait3A_704 = arith.constant 0 : i32
        %dma_wait3A_705 = arith.constant 3 : i32
        %dma_wait3A_706 = arith.constant 0 : i32
        %dma_wait3A_707 = arith.constant 24 : i32
        %dma_wait3A_708 = arith.constant 0 : i32
        %dma_wait3A_709 = tpu.memref_slice %arg13[%dma_wait3A_707, %dma_wait3A_708] : memref<32x128xf32, #tpu.memory_space<vmem>> -> memref<8x128xf32, #tpu.memory_space<vmem>>
        %dma_wait3A_710 = arith.constant 0 : i32
        %dma_wait3A_711 = arith.constant 0 : i32
        %dma_wait3A_712 = tpu.memref_slice %arg4[%dma_wait3A_704, %dma_wait3A_705, %dma_wait3A_706, %dma_wait3A_710, %dma_wait3A_711] : memref<200x4x32x8x128xf32, #tpu.memory_space<hbm>> -> memref<1x1x1x8x128xf32, #tpu.memory_space<hbm>>
        %dma_wait3A_713 = tpu.memref_squeeze %dma_wait3A_712 : memref<1x1x1x8x128xf32, #tpu.memory_space<hbm>> -> memref<8x128xf32, #tpu.memory_space<hbm>>
        %dma_wait3A_714 = arith.constant 0 : i32
        %dma_wait3A_715 = arith.constant 0 : i32
        %dma_wait3A_716 = tpu.memref_slice %arg4[%dma_wait3A_704, %dma_wait3A_705, %dma_wait3A_706, %dma_wait3A_714, %dma_wait3A_715] : memref<200x4x32x8x128xf32, #tpu.memory_space<hbm>> -> memref<1x1x1x8x128xf32, #tpu.memory_space<hbm>>
        %dma_wait3A_717 = tpu.memref_squeeze %dma_wait3A_716 : memref<1x1x1x8x128xf32, #tpu.memory_space<hbm>> -> memref<8x128xf32, #tpu.memory_space<hbm>>
        %dma_wait3A_718 = arith.constant 24 : i32
        %dma_wait3A_719 = arith.constant 0 : i32
        %dma_wait3A_720 = tpu.memref_slice %arg13[%dma_wait3A_718, %dma_wait3A_719] : memref<32x128xf32, #tpu.memory_space<vmem>> -> memref<8x128xf32, #tpu.memory_space<vmem>>
        tpu.wait_dma2 semaphore(%arg21 : memref<!tpu.dma_semaphore, #tpu.memory_space<semaphore_mem>>) src(%dma_wait3A_720 : memref<8x128xf32, #tpu.memory_space<vmem>>) dst(%dma_wait3A_717 : memref<8x128xf32, #tpu.memory_space<hbm>>)
      } else {
      }
      %parallel_loop3A_583 = arith.constant 0 : i32
      %parallel_loop3A_584 = arith.constant 128 : i32
      %parallel_loop3A_585 = arith.constant 1 : i32
      scf.for %parallel_loop3A_653 = %parallel_loop3A_583 to %parallel_loop3A_584 step %parallel_loop3A_585  : i32 {
        %parallel_loop3A_654 = vector.broadcast %parallel_loop3A_653 : i32 to vector<16xi32>
        %parallel_loop3A_655 = tpu.iota {dimensions = array<i32: 0>} : vector<16xi32>
        %parallel_loop3A_656 = arith.constant 0 : i32
        %parallel_loop3A_657 = vector.broadcast %parallel_loop3A_656 : i32 to vector<16xi32>
        %parallel_loop3A_658 = arith.addi %parallel_loop3A_657, %parallel_loop3A_655 : vector<16xi32>
        %parallel_loop3A_659 = arith.index_cast %parallel_loop3A_653 : i32 to index
        %parallel_loop3A_660 = arith.constant 0 : index
        %parallel_loop3A_661 = tpu.vector_load %arg9[%parallel_loop3A_659, %parallel_loop3A_660] {strides = array<i32>} : memref<128x32xf32, #tpu.memory_space<vmem>>, vector<16xf32>,
        tpu.vector_store_idx %arg13[%parallel_loop3A_658, %parallel_loop3A_654], %parallel_loop3A_661 : memref<32x128xf32, #tpu.memory_space<vmem>>[vector<16xi32>, vector<16xi32>], vector<16xf32>,
        %parallel_loop3A_662 = tpu.iota {dimensions = array<i32: 0>} : vector<16xi32>
        %parallel_loop3A_663 = arith.constant 16 : i32
        %parallel_loop3A_664 = vector.broadcast %parallel_loop3A_663 : i32 to vector<16xi32>
        %parallel_loop3A_665 = arith.addi %parallel_loop3A_664, %parallel_loop3A_662 : vector<16xi32>
        %parallel_loop3A_666 = arith.index_cast %parallel_loop3A_653 : i32 to index
        %parallel_loop3A_667 = arith.constant 16 : index
        %parallel_loop3A_668 = tpu.vector_load %arg9[%parallel_loop3A_666, %parallel_loop3A_667] {strides = array<i32>} : memref<128x32xf32, #tpu.memory_space<vmem>>, vector<16xf32>,
        tpu.vector_store_idx %arg13[%parallel_loop3A_665, %parallel_loop3A_654], %parallel_loop3A_668 : memref<32x128xf32, #tpu.memory_space<vmem>>[vector<16xi32>, vector<16xi32>], vector<16xf32>,
      } {sc.loop_unroll_factor = 8 : i64, sc.parallel_access}
      %add3A_586 = arith.constant 4 : i32
      %add3A_587 = arith.addi %add3A_570, %add3A_586 : i32
      %lt3A_588 = arith.constant 200 : i32
      %lt3A_589 = arith.cmpi slt, %add3A_587, %lt3A_588 : i32
      %convert_element_type3A_590 = arith.extui %lt3A_589 : i1 to i32
      %cond3A_591 = arith.constant 0 : i32
      %cond3A_592 = arith.cmpi ne, %convert_element_type3A_590, %cond3A_591 : i32
      scf.if %cond3A_592 {
        %add3A_653 = arith.constant 4 : i32
        %add3A_654 = arith.addi %add3A_570, %add3A_653 : i32
        %dma_start3A_655 = arith.constant 0 : i32
        %dma_start3A_656 = tpu.memref_slice %arg5[%add3A_654, %dma_start3A_655] : memref<200x128xi32, #tpu.memory_space<vmem>> -> memref<1x128xi32, #tpu.memory_space<vmem>>
        %dma_start3A_657 = tpu.memref_squeeze %dma_start3A_656 : memref<1x128xi32, #tpu.memory_space<vmem>> -> memref<128xi32, #tpu.memory_space<vmem>>
        %dma_start3A_658 = arith.constant 0 : i32
        %dma_start3A_659 = arith.constant 0 : i32
        %dma_start3A_660 = tpu.memref_slice %arg2[%dma_start3A_658, %dma_start3A_659] : memref<1000000x32xf32, #tpu.memory_space<hbm>> -> memref<1000000x32xf32, #tpu.memory_space<hbm>>
        tpu.enqueue_indirect_dma source(%dma_start3A_660 : memref<1000000x32xf32, #tpu.memory_space<hbm>>) target(%arg9 : memref<128x32xf32, #tpu.memory_space<vmem>>) offsets(%dma_start3A_657 : memref<128xi32, #tpu.memory_space<vmem>>) semaphore(%arg17 : memref<!tpu.dma_semaphore, #tpu.memory_space<semaphore_mem>>)
      } else {
      }
      %dma_start3A_593 = arith.constant 0 : i32
      %dma_start3A_594 = arith.constant 0 : i32
      %dma_start3A_595 = arith.constant 0 : i32
      %dma_start3A_596 = tpu.memref_slice %arg13[%dma_start3A_594, %dma_start3A_595] : memref<32x128xf32, #tpu.memory_space<vmem>> -> memref<8x128xf32, #tpu.memory_space<vmem>>
      %dma_start3A_597 = arith.constant 0 : i32
      %dma_start3A_598 = arith.constant 0 : i32
      %dma_start3A_599 = tpu.memref_slice %arg4[%add3A_570, %dma_start3A_593, %add3A, %dma_start3A_597, %dma_start3A_598] : memref<200x4x32x8x128xf32, #tpu.memory_space<hbm>> -> memref<1x1x1x8x128xf32, #tpu.memory_space<hbm>>
      %dma_start3A_600 = tpu.memref_squeeze %dma_start3A_599 : memref<1x1x1x8x128xf32, #tpu.memory_space<hbm>> -> memref<8x128xf32, #tpu.memory_space<hbm>>
      %dma_start3A_601 = arith.constant 0 : i32
      %dma_start3A_602 = arith.constant 0 : i32
      %dma_start3A_603 = tpu.memref_slice %arg4[%add3A_570, %dma_start3A_593, %add3A, %dma_start3A_601, %dma_start3A_602] : memref<200x4x32x8x128xf32, #tpu.memory_space<hbm>> -> memref<1x1x1x8x128xf32, #tpu.memory_space<hbm>>
      %dma_start3A_604 = tpu.memref_squeeze %dma_start3A_603 : memref<1x1x1x8x128xf32, #tpu.memory_space<hbm>> -> memref<8x128xf32, #tpu.memory_space<hbm>>
      %dma_start3A_605 = arith.constant 0 : i32
      %dma_start3A_606 = arith.constant 0 : i32
      %dma_start3A_607 = tpu.memref_slice %arg13[%dma_start3A_605, %dma_start3A_606] : memref<32x128xf32, #tpu.memory_space<vmem>> -> memref<8x128xf32, #tpu.memory_space<vmem>>
      tpu.enqueue_dma source(%dma_start3A_607 : memref<8x128xf32, #tpu.memory_space<vmem>>) target(%dma_start3A_604 : memref<8x128xf32, #tpu.memory_space<hbm>>) target_semaphore(%arg21 : memref<!tpu.dma_semaphore, #tpu.memory_space<semaphore_mem>>)
      %dma_start3A_608 = arith.constant 1 : i32
      %dma_start3A_609 = arith.constant 8 : i32
      %dma_start3A_610 = arith.constant 0 : i32
      %dma_start3A_611 = tpu.memref_slice %arg13[%dma_start3A_609, %dma_start3A_610] : memref<32x128xf32, #tpu.memory_space<vmem>> -> memref<8x128xf32, #tpu.memory_space<vmem>>
      %dma_start3A_612 = arith.constant 0 : i32
      %dma_start3A_613 = arith.constant 0 : i32
      %dma_start3A_614 = tpu.memref_slice %arg4[%add3A_570, %dma_start3A_608, %add3A, %dma_start3A_612, %dma_start3A_613] : memref<200x4x32x8x128xf32, #tpu.memory_space<hbm>> -> memref<1x1x1x8x128xf32, #tpu.memory_space<hbm>>
      %dma_start3A_615 = tpu.memref_squeeze %dma_start3A_614 : memref<1x1x1x8x128xf32, #tpu.memory_space<hbm>> -> memref<8x128xf32, #tpu.memory_space<hbm>>
      %dma_start3A_616 = arith.constant 0 : i32
      %dma_start3A_617 = arith.constant 0 : i32
      %dma_start3A_618 = tpu.memref_slice %arg4[%add3A_570, %dma_start3A_608, %add3A, %dma_start3A_616, %dma_start3A_617] : memref<200x4x32x8x128xf32, #tpu.memory_space<hbm>> -> memref<1x1x1x8x128xf32, #tpu.memory_space<hbm>>
      %dma_start3A_619 = tpu.memref_squeeze %dma_start3A_618 : memref<1x1x1x8x128xf32, #tpu.memory_space<hbm>> -> memref<8x128xf32, #tpu.memory_space<hbm>>
      %dma_start3A_620 = arith.constant 8 : i32
      %dma_start3A_621 = arith.constant 0 : i32
      %dma_start3A_622 = tpu.memref_slice %arg13[%dma_start3A_620, %dma_start3A_621] : memref<32x128xf32, #tpu.memory_space<vmem>> -> memref<8x128xf32, #tpu.memory_space<vmem>>
      tpu.enqueue_dma source(%dma_start3A_622 : memref<8x128xf32, #tpu.memory_space<vmem>>) target(%dma_start3A_619 : memref<8x128xf32, #tpu.memory_space<hbm>>) target_semaphore(%arg21 : memref<!tpu.dma_semaphore, #tpu.memory_space<semaphore_mem>>)
      %dma_start3A_623 = arith.constant 2 : i32
      %dma_start3A_624 = arith.constant 16 : i32
      %dma_start3A_625 = arith.constant 0 : i32
      %dma_start3A_626 = tpu.memref_slice %arg13[%dma_start3A_624, %dma_start3A_625] : memref<32x128xf32, #tpu.memory_space<vmem>> -> memref<8x128xf32, #tpu.memory_space<vmem>>
      %dma_start3A_627 = arith.constant 0 : i32
      %dma_start3A_628 = arith.constant 0 : i32
      %dma_start3A_629 = tpu.memref_slice %arg4[%add3A_570, %dma_start3A_623, %add3A, %dma_start3A_627, %dma_start3A_628] : memref<200x4x32x8x128xf32, #tpu.memory_space<hbm>> -> memref<1x1x1x8x128xf32, #tpu.memory_space<hbm>>
      %dma_start3A_630 = tpu.memref_squeeze %dma_start3A_629 : memref<1x1x1x8x128xf32, #tpu.memory_space<hbm>> -> memref<8x128xf32, #tpu.memory_space<hbm>>
      %dma_start3A_631 = arith.constant 0 : i32
      %dma_start3A_632 = arith.constant 0 : i32
      %dma_start3A_633 = tpu.memref_slice %arg4[%add3A_570, %dma_start3A_623, %add3A, %dma_start3A_631, %dma_start3A_632] : memref<200x4x32x8x128xf32, #tpu.memory_space<hbm>> -> memref<1x1x1x8x128xf32, #tpu.memory_space<hbm>>
      %dma_start3A_634 = tpu.memref_squeeze %dma_start3A_633 : memref<1x1x1x8x128xf32, #tpu.memory_space<hbm>> -> memref<8x128xf32, #tpu.memory_space<hbm>>
      %dma_start3A_635 = arith.constant 16 : i32
      %dma_start3A_636 = arith.constant 0 : i32
      %dma_start3A_637 = tpu.memref_slice %arg13[%dma_start3A_635, %dma_start3A_636] : memref<32x128xf32, #tpu.memory_space<vmem>> -> memref<8x128xf32, #tpu.memory_space<vmem>>
      tpu.enqueue_dma source(%dma_start3A_637 : memref<8x128xf32, #tpu.memory_space<vmem>>) target(%dma_start3A_634 : memref<8x128xf32, #tpu.memory_space<hbm>>) target_semaphore(%arg21 : memref<!tpu.dma_semaphore, #tpu.memory_space<semaphore_mem>>)
      %dma_start3A_638 = arith.constant 3 : i32
      %dma_start3A_639 = arith.constant 24 : i32
      %dma_start3A_640 = arith.constant 0 : i32
      %dma_start3A_641 = tpu.memref_slice %arg13[%dma_start3A_639, %dma_start3A_640] : memref<32x128xf32, #tpu.memory_space<vmem>> -> memref<8x128xf32, #tpu.memory_space<vmem>>
      %dma_start3A_642 = arith.constant 0 : i32
      %dma_start3A_643 = arith.constant 0 : i32
      %dma_start3A_644 = tpu.memref_slice %arg4[%add3A_570, %dma_start3A_638, %add3A, %dma_start3A_642, %dma_start3A_643] : memref<200x4x32x8x128xf32, #tpu.memory_space<hbm>> -> memref<1x1x1x8x128xf32, #tpu.memory_space<hbm>>
      %dma_start3A_645 = tpu.memref_squeeze %dma_start3A_644 : memref<1x1x1x8x128xf32, #tpu.memory_space<hbm>> -> memref<8x128xf32, #tpu.memory_space<hbm>>
      %dma_start3A_646 = arith.constant 0 : i32
      %dma_start3A_647 = arith.constant 0 : i32
      %dma_start3A_648 = tpu.memref_slice %arg4[%add3A_570, %dma_start3A_638, %add3A, %dma_start3A_646, %dma_start3A_647] : memref<200x4x32x8x128xf32, #tpu.memory_space<hbm>> -> memref<1x1x1x8x128xf32, #tpu.memory_space<hbm>>
      %dma_start3A_649 = tpu.memref_squeeze %dma_start3A_648 : memref<1x1x1x8x128xf32, #tpu.memory_space<hbm>> -> memref<8x128xf32, #tpu.memory_space<hbm>>
      %dma_start3A_650 = arith.constant 24 : i32
      %dma_start3A_651 = arith.constant 0 : i32
      %dma_start3A_652 = tpu.memref_slice %arg13[%dma_start3A_650, %dma_start3A_651] : memref<32x128xf32, #tpu.memory_space<vmem>> -> memref<8x128xf32, #tpu.memory_space<vmem>>
      tpu.enqueue_dma source(%dma_start3A_652 : memref<8x128xf32, #tpu.memory_space<vmem>>) target(%dma_start3A_649 : memref<8x128xf32, #tpu.memory_space<hbm>>) target_semaphore(%arg21 : memref<!tpu.dma_semaphore, #tpu.memory_space<semaphore_mem>>)
    }
    %scan3A_34 = arith.constant 50 : i32
    %dma_wait3A = arith.constant 0 : i32
    %dma_wait3A_35 = arith.constant 0 : i32
    %dma_wait3A_36 = arith.constant 0 : i32
    %dma_wait3A_37 = arith.constant 0 : i32
    %dma_wait3A_38 = arith.constant 0 : i32
    %dma_wait3A_39 = tpu.memref_slice %arg10[%dma_wait3A_37, %dma_wait3A_38] : memref<32x128xf32, #tpu.memory_space<vmem>> -> memref<8x128xf32, #tpu.memory_space<vmem>>
    %dma_wait3A_40 = arith.constant 0 : i32
    %dma_wait3A_41 = arith.constant 0 : i32
    %dma_wait3A_42 = tpu.memref_slice %arg4[%dma_wait3A, %dma_wait3A_35, %dma_wait3A_36, %dma_wait3A_40, %dma_wait3A_41] : memref<200x4x32x8x128xf32, #tpu.memory_space<hbm>> -> memref<1x1x1x8x128xf32, #tpu.memory_space<hbm>>
    %dma_wait3A_43 = tpu.memref_squeeze %dma_wait3A_42 : memref<1x1x1x8x128xf32, #tpu.memory_space<hbm>> -> memref<8x128xf32, #tpu.memory_space<hbm>>
    %dma_wait3A_44 = arith.constant 0 : i32
    %dma_wait3A_45 = arith.constant 0 : i32
    %dma_wait3A_46 = tpu.memref_slice %arg4[%dma_wait3A, %dma_wait3A_35, %dma_wait3A_36, %dma_wait3A_44, %dma_wait3A_45] : memref<200x4x32x8x128xf32, #tpu.memory_space<hbm>> -> memref<1x1x1x8x128xf32, #tpu.memory_space<hbm>>
    %dma_wait3A_47 = tpu.memref_squeeze %dma_wait3A_46 : memref<1x1x1x8x128xf32, #tpu.memory_space<hbm>> -> memref<8x128xf32, #tpu.memory_space<hbm>>
    %dma_wait3A_48 = arith.constant 0 : i32
    %dma_wait3A_49 = arith.constant 0 : i32
    %dma_wait3A_50 = tpu.memref_slice %arg10[%dma_wait3A_48, %dma_wait3A_49] : memref<32x128xf32, #tpu.memory_space<vmem>> -> memref<8x128xf32, #tpu.memory_space<vmem>>
    tpu.wait_dma2 semaphore(%arg18 : memref<!tpu.dma_semaphore, #tpu.memory_space<semaphore_mem>>) src(%dma_wait3A_50 : memref<8x128xf32, #tpu.memory_space<vmem>>) dst(%dma_wait3A_47 : memref<8x128xf32, #tpu.memory_space<hbm>>)
    %dma_wait3A_51 = arith.constant 0 : i32
    %dma_wait3A_52 = arith.constant 1 : i32
    %dma_wait3A_53 = arith.constant 0 : i32
    %dma_wait3A_54 = arith.constant 8 : i32
    %dma_wait3A_55 = arith.constant 0 : i32
    %dma_wait3A_56 = tpu.memref_slice %arg10[%dma_wait3A_54, %dma_wait3A_55] : memref<32x128xf32, #tpu.memory_space<vmem>> -> memref<8x128xf32, #tpu.memory_space<vmem>>
    %dma_wait3A_57 = arith.constant 0 : i32
    %dma_wait3A_58 = arith.constant 0 : i32
    %dma_wait3A_59 = tpu.memref_slice %arg4[%dma_wait3A_51, %dma_wait3A_52, %dma_wait3A_53, %dma_wait3A_57, %dma_wait3A_58] : memref<200x4x32x8x128xf32, #tpu.memory_space<hbm>> -> memref<1x1x1x8x128xf32, #tpu.memory_space<hbm>>
    %dma_wait3A_60 = tpu.memref_squeeze %dma_wait3A_59 : memref<1x1x1x8x128xf32, #tpu.memory_space<hbm>> -> memref<8x128xf32, #tpu.memory_space<hbm>>
    %dma_wait3A_61 = arith.constant 0 : i32
    %dma_wait3A_62 = arith.constant 0 : i32
    %dma_wait3A_63 = tpu.memref_slice %arg4[%dma_wait3A_51, %dma_wait3A_52, %dma_wait3A_53, %dma_wait3A_61, %dma_wait3A_62] : memref<200x4x32x8x128xf32, #tpu.memory_space<hbm>> -> memref<1x1x1x8x128xf32, #tpu.memory_space<hbm>>
    %dma_wait3A_64 = tpu.memref_squeeze %dma_wait3A_63 : memref<1x1x1x8x128xf32, #tpu.memory_space<hbm>> -> memref<8x128xf32, #tpu.memory_space<hbm>>
    %dma_wait3A_65 = arith.constant 8 : i32
    %dma_wait3A_66 = arith.constant 0 : i32
    %dma_wait3A_67 = tpu.memref_slice %arg10[%dma_wait3A_65, %dma_wait3A_66] : memref<32x128xf32, #tpu.memory_space<vmem>> -> memref<8x128xf32, #tpu.memory_space<vmem>>
    tpu.wait_dma2 semaphore(%arg18 : memref<!tpu.dma_semaphore, #tpu.memory_space<semaphore_mem>>) src(%dma_wait3A_67 : memref<8x128xf32, #tpu.memory_space<vmem>>) dst(%dma_wait3A_64 : memref<8x128xf32, #tpu.memory_space<hbm>>)
    %dma_wait3A_68 = arith.constant 0 : i32
    %dma_wait3A_69 = arith.constant 2 : i32
    %dma_wait3A_70 = arith.constant 0 : i32
    %dma_wait3A_71 = arith.constant 16 : i32
    %dma_wait3A_72 = arith.constant 0 : i32
    %dma_wait3A_73 = tpu.memref_slice %arg10[%dma_wait3A_71, %dma_wait3A_72] : memref<32x128xf32, #tpu.memory_space<vmem>> -> memref<8x128xf32, #tpu.memory_space<vmem>>
    %dma_wait3A_74 = arith.constant 0 : i32
    %dma_wait3A_75 = arith.constant 0 : i32
    %dma_wait3A_76 = tpu.memref_slice %arg4[%dma_wait3A_68, %dma_wait3A_69, %dma_wait3A_70, %dma_wait3A_74, %dma_wait3A_75] : memref<200x4x32x8x128xf32, #tpu.memory_space<hbm>> -> memref<1x1x1x8x128xf32, #tpu.memory_space<hbm>>
    %dma_wait3A_77 = tpu.memref_squeeze %dma_wait3A_76 : memref<1x1x1x8x128xf32, #tpu.memory_space<hbm>> -> memref<8x128xf32, #tpu.memory_space<hbm>>
    %dma_wait3A_78 = arith.constant 0 : i32
    %dma_wait3A_79 = arith.constant 0 : i32
    %dma_wait3A_80 = tpu.memref_slice %arg4[%dma_wait3A_68, %dma_wait3A_69, %dma_wait3A_70, %dma_wait3A_78, %dma_wait3A_79] : memref<200x4x32x8x128xf32, #tpu.memory_space<hbm>> -> memref<1x1x1x8x128xf32, #tpu.memory_space<hbm>>
    %dma_wait3A_81 = tpu.memref_squeeze %dma_wait3A_80 : memref<1x1x1x8x128xf32, #tpu.memory_space<hbm>> -> memref<8x128xf32, #tpu.memory_space<hbm>>
    %dma_wait3A_82 = arith.constant 16 : i32
    %dma_wait3A_83 = arith.constant 0 : i32
    %dma_wait3A_84 = tpu.memref_slice %arg10[%dma_wait3A_82, %dma_wait3A_83] : memref<32x128xf32, #tpu.memory_space<vmem>> -> memref<8x128xf32, #tpu.memory_space<vmem>>
    tpu.wait_dma2 semaphore(%arg18 : memref<!tpu.dma_semaphore, #tpu.memory_space<semaphore_mem>>) src(%dma_wait3A_84 : memref<8x128xf32, #tpu.memory_space<vmem>>) dst(%dma_wait3A_81 : memref<8x128xf32, #tpu.memory_space<hbm>>)
    %dma_wait3A_85 = arith.constant 0 : i32
    %dma_wait3A_86 = arith.constant 3 : i32
    %dma_wait3A_87 = arith.constant 0 : i32
    %dma_wait3A_88 = arith.constant 24 : i32
    %dma_wait3A_89 = arith.constant 0 : i32
    %dma_wait3A_90 = tpu.memref_slice %arg10[%dma_wait3A_88, %dma_wait3A_89] : memref<32x128xf32, #tpu.memory_space<vmem>> -> memref<8x128xf32, #tpu.memory_space<vmem>>
    %dma_wait3A_91 = arith.constant 0 : i32
    %dma_wait3A_92 = arith.constant 0 : i32
    %dma_wait3A_93 = tpu.memref_slice %arg4[%dma_wait3A_85, %dma_wait3A_86, %dma_wait3A_87, %dma_wait3A_91, %dma_wait3A_92] : memref<200x4x32x8x128xf32, #tpu.memory_space<hbm>> -> memref<1x1x1x8x128xf32, #tpu.memory_space<hbm>>
    %dma_wait3A_94 = tpu.memref_squeeze %dma_wait3A_93 : memref<1x1x1x8x128xf32, #tpu.memory_space<hbm>> -> memref<8x128xf32, #tpu.memory_space<hbm>>
    %dma_wait3A_95 = arith.constant 0 : i32
    %dma_wait3A_96 = arith.constant 0 : i32
    %dma_wait3A_97 = tpu.memref_slice %arg4[%dma_wait3A_85, %dma_wait3A_86, %dma_wait3A_87, %dma_wait3A_95, %dma_wait3A_96] : memref<200x4x32x8x128xf32, #tpu.memory_space<hbm>> -> memref<1x1x1x8x128xf32, #tpu.memory_space<hbm>>
    %dma_wait3A_98 = tpu.memref_squeeze %dma_wait3A_97 : memref<1x1x1x8x128xf32, #tpu.memory_space<hbm>> -> memref<8x128xf32, #tpu.memory_space<hbm>>
    %dma_wait3A_99 = arith.constant 24 : i32
    %dma_wait3A_100 = arith.constant 0 : i32
    %dma_wait3A_101 = tpu.memref_slice %arg10[%dma_wait3A_99, %dma_wait3A_100] : memref<32x128xf32, #tpu.memory_space<vmem>> -> memref<8x128xf32, #tpu.memory_space<vmem>>
    tpu.wait_dma2 semaphore(%arg18 : memref<!tpu.dma_semaphore, #tpu.memory_space<semaphore_mem>>) src(%dma_wait3A_101 : memref<8x128xf32, #tpu.memory_space<vmem>>) dst(%dma_wait3A_98 : memref<8x128xf32, #tpu.memory_space<hbm>>)
    %dma_wait3A_102 = arith.constant 0 : i32
    %dma_wait3A_103 = arith.constant 0 : i32
    %dma_wait3A_104 = arith.constant 0 : i32
    %dma_wait3A_105 = arith.constant 0 : i32
    %dma_wait3A_106 = arith.constant 0 : i32
    %dma_wait3A_107 = tpu.memref_slice %arg11[%dma_wait3A_105, %dma_wait3A_106] : memref<32x128xf32, #tpu.memory_space<vmem>> -> memref<8x128xf32, #tpu.memory_space<vmem>>
    %dma_wait3A_108 = arith.constant 0 : i32
    %dma_wait3A_109 = arith.constant 0 : i32
    %dma_wait3A_110 = tpu.memref_slice %arg4[%dma_wait3A_102, %dma_wait3A_103, %dma_wait3A_104, %dma_wait3A_108, %dma_wait3A_109] : memref<200x4x32x8x128xf32, #tpu.memory_space<hbm>> -> memref<1x1x1x8x128xf32, #tpu.memory_space<hbm>>
    %dma_wait3A_111 = tpu.memref_squeeze %dma_wait3A_110 : memref<1x1x1x8x128xf32, #tpu.memory_space<hbm>> -> memref<8x128xf32, #tpu.memory_space<hbm>>
    %dma_wait3A_112 = arith.constant 0 : i32
    %dma_wait3A_113 = arith.constant 0 : i32
    %dma_wait3A_114 = tpu.memref_slice %arg4[%dma_wait3A_102, %dma_wait3A_103, %dma_wait3A_104, %dma_wait3A_112, %dma_wait3A_113] : memref<200x4x32x8x128xf32, #tpu.memory_space<hbm>> -> memref<1x1x1x8x128xf32, #tpu.memory_space<hbm>>
    %dma_wait3A_115 = tpu.memref_squeeze %dma_wait3A_114 : memref<1x1x1x8x128xf32, #tpu.memory_space<hbm>> -> memref<8x128xf32, #tpu.memory_space<hbm>>
    %dma_wait3A_116 = arith.constant 0 : i32
    %dma_wait3A_117 = arith.constant 0 : i32
    %dma_wait3A_118 = tpu.memref_slice %arg11[%dma_wait3A_116, %dma_wait3A_117] : memref<32x128xf32, #tpu.memory_space<vmem>> -> memref<8x128xf32, #tpu.memory_space<vmem>>
    tpu.wait_dma2 semaphore(%arg19 : memref<!tpu.dma_semaphore, #tpu.memory_space<semaphore_mem>>) src(%dma_wait3A_118 : memref<8x128xf32, #tpu.memory_space<vmem>>) dst(%dma_wait3A_115 : memref<8x128xf32, #tpu.memory_space<hbm>>)
    %dma_wait3A_119 = arith.constant 0 : i32
    %dma_wait3A_120 = arith.constant 1 : i32
    %dma_wait3A_121 = arith.constant 0 : i32
    %dma_wait3A_122 = arith.constant 8 : i32
    %dma_wait3A_123 = arith.constant 0 : i32
    %dma_wait3A_124 = tpu.memref_slice %arg11[%dma_wait3A_122, %dma_wait3A_123] : memref<32x128xf32, #tpu.memory_space<vmem>> -> memref<8x128xf32, #tpu.memory_space<vmem>>
    %dma_wait3A_125 = arith.constant 0 : i32
    %dma_wait3A_126 = arith.constant 0 : i32
    %dma_wait3A_127 = tpu.memref_slice %arg4[%dma_wait3A_119, %dma_wait3A_120, %dma_wait3A_121, %dma_wait3A_125, %dma_wait3A_126] : memref<200x4x32x8x128xf32, #tpu.memory_space<hbm>> -> memref<1x1x1x8x128xf32, #tpu.memory_space<hbm>>
    %dma_wait3A_128 = tpu.memref_squeeze %dma_wait3A_127 : memref<1x1x1x8x128xf32, #tpu.memory_space<hbm>> -> memref<8x128xf32, #tpu.memory_space<hbm>>
    %dma_wait3A_129 = arith.constant 0 : i32
    %dma_wait3A_130 = arith.constant 0 : i32
    %dma_wait3A_131 = tpu.memref_slice %arg4[%dma_wait3A_119, %dma_wait3A_120, %dma_wait3A_121, %dma_wait3A_129, %dma_wait3A_130] : memref<200x4x32x8x128xf32, #tpu.memory_space<hbm>> -> memref<1x1x1x8x128xf32, #tpu.memory_space<hbm>>
    %dma_wait3A_132 = tpu.memref_squeeze %dma_wait3A_131 : memref<1x1x1x8x128xf32, #tpu.memory_space<hbm>> -> memref<8x128xf32, #tpu.memory_space<hbm>>
    %dma_wait3A_133 = arith.constant 8 : i32
    %dma_wait3A_134 = arith.constant 0 : i32
    %dma_wait3A_135 = tpu.memref_slice %arg11[%dma_wait3A_133, %dma_wait3A_134] : memref<32x128xf32, #tpu.memory_space<vmem>> -> memref<8x128xf32, #tpu.memory_space<vmem>>
    tpu.wait_dma2 semaphore(%arg19 : memref<!tpu.dma_semaphore, #tpu.memory_space<semaphore_mem>>) src(%dma_wait3A_135 : memref<8x128xf32, #tpu.memory_space<vmem>>) dst(%dma_wait3A_132 : memref<8x128xf32, #tpu.memory_space<hbm>>)
    %dma_wait3A_136 = arith.constant 0 : i32
    %dma_wait3A_137 = arith.constant 2 : i32
    %dma_wait3A_138 = arith.constant 0 : i32
    %dma_wait3A_139 = arith.constant 16 : i32
    %dma_wait3A_140 = arith.constant 0 : i32
    %dma_wait3A_141 = tpu.memref_slice %arg11[%dma_wait3A_139, %dma_wait3A_140] : memref<32x128xf32, #tpu.memory_space<vmem>> -> memref<8x128xf32, #tpu.memory_space<vmem>>
    %dma_wait3A_142 = arith.constant 0 : i32
    %dma_wait3A_143 = arith.constant 0 : i32
    %dma_wait3A_144 = tpu.memref_slice %arg4[%dma_wait3A_136, %dma_wait3A_137, %dma_wait3A_138, %dma_wait3A_142, %dma_wait3A_143] : memref<200x4x32x8x128xf32, #tpu.memory_space<hbm>> -> memref<1x1x1x8x128xf32, #tpu.memory_space<hbm>>
    %dma_wait3A_145 = tpu.memref_squeeze %dma_wait3A_144 : memref<1x1x1x8x128xf32, #tpu.memory_space<hbm>> -> memref<8x128xf32, #tpu.memory_space<hbm>>
    %dma_wait3A_146 = arith.constant 0 : i32
    %dma_wait3A_147 = arith.constant 0 : i32
    %dma_wait3A_148 = tpu.memref_slice %arg4[%dma_wait3A_136, %dma_wait3A_137, %dma_wait3A_138, %dma_wait3A_146, %dma_wait3A_147] : memref<200x4x32x8x128xf32, #tpu.memory_space<hbm>> -> memref<1x1x1x8x128xf32, #tpu.memory_space<hbm>>
    %dma_wait3A_149 = tpu.memref_squeeze %dma_wait3A_148 : memref<1x1x1x8x128xf32, #tpu.memory_space<hbm>> -> memref<8x128xf32, #tpu.memory_space<hbm>>
    %dma_wait3A_150 = arith.constant 16 : i32
    %dma_wait3A_151 = arith.constant 0 : i32
    %dma_wait3A_152 = tpu.memref_slice %arg11[%dma_wait3A_150, %dma_wait3A_151] : memref<32x128xf32, #tpu.memory_space<vmem>> -> memref<8x128xf32, #tpu.memory_space<vmem>>
    tpu.wait_dma2 semaphore(%arg19 : memref<!tpu.dma_semaphore, #tpu.memory_space<semaphore_mem>>) src(%dma_wait3A_152 : memref<8x128xf32, #tpu.memory_space<vmem>>) dst(%dma_wait3A_149 : memref<8x128xf32, #tpu.memory_space<hbm>>)
    %dma_wait3A_153 = arith.constant 0 : i32
    %dma_wait3A_154 = arith.constant 3 : i32
    %dma_wait3A_155 = arith.constant 0 : i32
    %dma_wait3A_156 = arith.constant 24 : i32
    %dma_wait3A_157 = arith.constant 0 : i32
    %dma_wait3A_158 = tpu.memref_slice %arg11[%dma_wait3A_156, %dma_wait3A_157] : memref<32x128xf32, #tpu.memory_space<vmem>> -> memref<8x128xf32, #tpu.memory_space<vmem>>
    %dma_wait3A_159 = arith.constant 0 : i32
    %dma_wait3A_160 = arith.constant 0 : i32
    %dma_wait3A_161 = tpu.memref_slice %arg4[%dma_wait3A_153, %dma_wait3A_154, %dma_wait3A_155, %dma_wait3A_159, %dma_wait3A_160] : memref<200x4x32x8x128xf32, #tpu.memory_space<hbm>> -> memref<1x1x1x8x128xf32, #tpu.memory_space<hbm>>
    %dma_wait3A_162 = tpu.memref_squeeze %dma_wait3A_161 : memref<1x1x1x8x128xf32, #tpu.memory_space<hbm>> -> memref<8x128xf32, #tpu.memory_space<hbm>>
    %dma_wait3A_163 = arith.constant 0 : i32
    %dma_wait3A_164 = arith.constant 0 : i32
    %dma_wait3A_165 = tpu.memref_slice %arg4[%dma_wait3A_153, %dma_wait3A_154, %dma_wait3A_155, %dma_wait3A_163, %dma_wait3A_164] : memref<200x4x32x8x128xf32, #tpu.memory_space<hbm>> -> memref<1x1x1x8x128xf32, #tpu.memory_space<hbm>>
    %dma_wait3A_166 = tpu.memref_squeeze %dma_wait3A_165 : memref<1x1x1x8x128xf32, #tpu.memory_space<hbm>> -> memref<8x128xf32, #tpu.memory_space<hbm>>
    %dma_wait3A_167 = arith.constant 24 : i32
    %dma_wait3A_168 = arith.constant 0 : i32
    %dma_wait3A_169 = tpu.memref_slice %arg11[%dma_wait3A_167, %dma_wait3A_168] : memref<32x128xf32, #tpu.memory_space<vmem>> -> memref<8x128xf32, #tpu.memory_space<vmem>>
    tpu.wait_dma2 semaphore(%arg19 : memref<!tpu.dma_semaphore, #tpu.memory_space<semaphore_mem>>) src(%dma_wait3A_169 : memref<8x128xf32, #tpu.memory_space<vmem>>) dst(%dma_wait3A_166 : memref<8x128xf32, #tpu.memory_space<hbm>>)
    %dma_wait3A_170 = arith.constant 0 : i32
    %dma_wait3A_171 = arith.constant 0 : i32
    %dma_wait3A_172 = arith.constant 0 : i32
    %dma_wait3A_173 = arith.constant 0 : i32
    %dma_wait3A_174 = arith.constant 0 : i32
    %dma_wait3A_175 = tpu.memref_slice %arg12[%dma_wait3A_173, %dma_wait3A_174] : memref<32x128xf32, #tpu.memory_space<vmem>> -> memref<8x128xf32, #tpu.memory_space<vmem>>
    %dma_wait3A_176 = arith.constant 0 : i32
    %dma_wait3A_177 = arith.constant 0 : i32
    %dma_wait3A_178 = tpu.memref_slice %arg4[%dma_wait3A_170, %dma_wait3A_171, %dma_wait3A_172, %dma_wait3A_176, %dma_wait3A_177] : memref<200x4x32x8x128xf32, #tpu.memory_space<hbm>> -> memref<1x1x1x8x128xf32, #tpu.memory_space<hbm>>
    %dma_wait3A_179 = tpu.memref_squeeze %dma_wait3A_178 : memref<1x1x1x8x128xf32, #tpu.memory_space<hbm>> -> memref<8x128xf32, #tpu.memory_space<hbm>>
    %dma_wait3A_180 = arith.constant 0 : i32
    %dma_wait3A_181 = arith.constant 0 : i32
    %dma_wait3A_182 = tpu.memref_slice %arg4[%dma_wait3A_170, %dma_wait3A_171, %dma_wait3A_172, %dma_wait3A_180, %dma_wait3A_181] : memref<200x4x32x8x128xf32, #tpu.memory_space<hbm>> -> memref<1x1x1x8x128xf32, #tpu.memory_space<hbm>>
    %dma_wait3A_183 = tpu.memref_squeeze %dma_wait3A_182 : memref<1x1x1x8x128xf32, #tpu.memory_space<hbm>> -> memref<8x128xf32, #tpu.memory_space<hbm>>
    %dma_wait3A_184 = arith.constant 0 : i32
    %dma_wait3A_185 = arith.constant 0 : i32
    %dma_wait3A_186 = tpu.memref_slice %arg12[%dma_wait3A_184, %dma_wait3A_185] : memref<32x128xf32, #tpu.memory_space<vmem>> -> memref<8x128xf32, #tpu.memory_space<vmem>>
    tpu.wait_dma2 semaphore(%arg20 : memref<!tpu.dma_semaphore, #tpu.memory_space<semaphore_mem>>) src(%dma_wait3A_186 : memref<8x128xf32, #tpu.memory_space<vmem>>) dst(%dma_wait3A_183 : memref<8x128xf32, #tpu.memory_space<hbm>>)
    %dma_wait3A_187 = arith.constant 0 : i32
    %dma_wait3A_188 = arith.constant 1 : i32
    %dma_wait3A_189 = arith.constant 0 : i32
    %dma_wait3A_190 = arith.constant 8 : i32
    %dma_wait3A_191 = arith.constant 0 : i32
    %dma_wait3A_192 = tpu.memref_slice %arg12[%dma_wait3A_190, %dma_wait3A_191] : memref<32x128xf32, #tpu.memory_space<vmem>> -> memref<8x128xf32, #tpu.memory_space<vmem>>
    %dma_wait3A_193 = arith.constant 0 : i32
    %dma_wait3A_194 = arith.constant 0 : i32
    %dma_wait3A_195 = tpu.memref_slice %arg4[%dma_wait3A_187, %dma_wait3A_188, %dma_wait3A_189, %dma_wait3A_193, %dma_wait3A_194] : memref<200x4x32x8x128xf32, #tpu.memory_space<hbm>> -> memref<1x1x1x8x128xf32, #tpu.memory_space<hbm>>
    %dma_wait3A_196 = tpu.memref_squeeze %dma_wait3A_195 : memref<1x1x1x8x128xf32, #tpu.memory_space<hbm>> -> memref<8x128xf32, #tpu.memory_space<hbm>>
    %dma_wait3A_197 = arith.constant 0 : i32
    %dma_wait3A_198 = arith.constant 0 : i32
    %dma_wait3A_199 = tpu.memref_slice %arg4[%dma_wait3A_187, %dma_wait3A_188, %dma_wait3A_189, %dma_wait3A_197, %dma_wait3A_198] : memref<200x4x32x8x128xf32, #tpu.memory_space<hbm>> -> memref<1x1x1x8x128xf32, #tpu.memory_space<hbm>>
    %dma_wait3A_200 = tpu.memref_squeeze %dma_wait3A_199 : memref<1x1x1x8x128xf32, #tpu.memory_space<hbm>> -> memref<8x128xf32, #tpu.memory_space<hbm>>
    %dma_wait3A_201 = arith.constant 8 : i32
    %dma_wait3A_202 = arith.constant 0 : i32
    %dma_wait3A_203 = tpu.memref_slice %arg12[%dma_wait3A_201, %dma_wait3A_202] : memref<32x128xf32, #tpu.memory_space<vmem>> -> memref<8x128xf32, #tpu.memory_space<vmem>>
    tpu.wait_dma2 semaphore(%arg20 : memref<!tpu.dma_semaphore, #tpu.memory_space<semaphore_mem>>) src(%dma_wait3A_203 : memref<8x128xf32, #tpu.memory_space<vmem>>) dst(%dma_wait3A_200 : memref<8x128xf32, #tpu.memory_space<hbm>>)
    %dma_wait3A_204 = arith.constant 0 : i32
    %dma_wait3A_205 = arith.constant 2 : i32
    %dma_wait3A_206 = arith.constant 0 : i32
    %dma_wait3A_207 = arith.constant 16 : i32
    %dma_wait3A_208 = arith.constant 0 : i32
    %dma_wait3A_209 = tpu.memref_slice %arg12[%dma_wait3A_207, %dma_wait3A_208] : memref<32x128xf32, #tpu.memory_space<vmem>> -> memref<8x128xf32, #tpu.memory_space<vmem>>
    %dma_wait3A_210 = arith.constant 0 : i32
    %dma_wait3A_211 = arith.constant 0 : i32
    %dma_wait3A_212 = tpu.memref_slice %arg4[%dma_wait3A_204, %dma_wait3A_205, %dma_wait3A_206, %dma_wait3A_210, %dma_wait3A_211] : memref<200x4x32x8x128xf32, #tpu.memory_space<hbm>> -> memref<1x1x1x8x128xf32, #tpu.memory_space<hbm>>
    %dma_wait3A_213 = tpu.memref_squeeze %dma_wait3A_212 : memref<1x1x1x8x128xf32, #tpu.memory_space<hbm>> -> memref<8x128xf32, #tpu.memory_space<hbm>>
    %dma_wait3A_214 = arith.constant 0 : i32
    %dma_wait3A_215 = arith.constant 0 : i32
    %dma_wait3A_216 = tpu.memref_slice %arg4[%dma_wait3A_204, %dma_wait3A_205, %dma_wait3A_206, %dma_wait3A_214, %dma_wait3A_215] : memref<200x4x32x8x128xf32, #tpu.memory_space<hbm>> -> memref<1x1x1x8x128xf32, #tpu.memory_space<hbm>>
    %dma_wait3A_217 = tpu.memref_squeeze %dma_wait3A_216 : memref<1x1x1x8x128xf32, #tpu.memory_space<hbm>> -> memref<8x128xf32, #tpu.memory_space<hbm>>
    %dma_wait3A_218 = arith.constant 16 : i32
    %dma_wait3A_219 = arith.constant 0 : i32
    %dma_wait3A_220 = tpu.memref_slice %arg12[%dma_wait3A_218, %dma_wait3A_219] : memref<32x128xf32, #tpu.memory_space<vmem>> -> memref<8x128xf32, #tpu.memory_space<vmem>>
    tpu.wait_dma2 semaphore(%arg20 : memref<!tpu.dma_semaphore, #tpu.memory_space<semaphore_mem>>) src(%dma_wait3A_220 : memref<8x128xf32, #tpu.memory_space<vmem>>) dst(%dma_wait3A_217 : memref<8x128xf32, #tpu.memory_space<hbm>>)
    %dma_wait3A_221 = arith.constant 0 : i32
    %dma_wait3A_222 = arith.constant 3 : i32
    %dma_wait3A_223 = arith.constant 0 : i32
    %dma_wait3A_224 = arith.constant 24 : i32
    %dma_wait3A_225 = arith.constant 0 : i32
    %dma_wait3A_226 = tpu.memref_slice %arg12[%dma_wait3A_224, %dma_wait3A_225] : memref<32x128xf32, #tpu.memory_space<vmem>> -> memref<8x128xf32, #tpu.memory_space<vmem>>
    %dma_wait3A_227 = arith.constant 0 : i32
    %dma_wait3A_228 = arith.constant 0 : i32
    %dma_wait3A_229 = tpu.memref_slice %arg4[%dma_wait3A_221, %dma_wait3A_222, %dma_wait3A_223, %dma_wait3A_227, %dma_wait3A_228] : memref<200x4x32x8x128xf32, #tpu.memory_space<hbm>> -> memref<1x1x1x8x128xf32, #tpu.memory_space<hbm>>
    %dma_wait3A_230 = tpu.memref_squeeze %dma_wait3A_229 : memref<1x1x1x8x128xf32, #tpu.memory_space<hbm>> -> memref<8x128xf32, #tpu.memory_space<hbm>>
    %dma_wait3A_231 = arith.constant 0 : i32
    %dma_wait3A_232 = arith.constant 0 : i32
    %dma_wait3A_233 = tpu.memref_slice %arg4[%dma_wait3A_221, %dma_wait3A_222, %dma_wait3A_223, %dma_wait3A_231, %dma_wait3A_232] : memref<200x4x32x8x128xf32, #tpu.memory_space<hbm>> -> memref<1x1x1x8x128xf32, #tpu.memory_space<hbm>>
    %dma_wait3A_234 = tpu.memref_squeeze %dma_wait3A_233 : memref<1x1x1x8x128xf32, #tpu.memory_space<hbm>> -> memref<8x128xf32, #tpu.memory_space<hbm>>
    %dma_wait3A_235 = arith.constant 24 : i32
    %dma_wait3A_236 = arith.constant 0 : i32
    %dma_wait3A_237 = tpu.memref_slice %arg12[%dma_wait3A_235, %dma_wait3A_236] : memref<32x128xf32, #tpu.memory_space<vmem>> -> memref<8x128xf32, #tpu.memory_space<vmem>>
    tpu.wait_dma2 semaphore(%arg20 : memref<!tpu.dma_semaphore, #tpu.memory_space<semaphore_mem>>) src(%dma_wait3A_237 : memref<8x128xf32, #tpu.memory_space<vmem>>) dst(%dma_wait3A_234 : memref<8x128xf32, #tpu.memory_space<hbm>>)
    %dma_wait3A_238 = arith.constant 0 : i32
    %dma_wait3A_239 = arith.constant 0 : i32
    %dma_wait3A_240 = arith.constant 0 : i32
    %dma_wait3A_241 = arith.constant 0 : i32
    %dma_wait3A_242 = arith.constant 0 : i32
    %dma_wait3A_243 = tpu.memref_slice %arg13[%dma_wait3A_241, %dma_wait3A_242] : memref<32x128xf32, #tpu.memory_space<vmem>> -> memref<8x128xf32, #tpu.memory_space<vmem>>
    %dma_wait3A_244 = arith.constant 0 : i32
    %dma_wait3A_245 = arith.constant 0 : i32
    %dma_wait3A_246 = tpu.memref_slice %arg4[%dma_wait3A_238, %dma_wait3A_239, %dma_wait3A_240, %dma_wait3A_244, %dma_wait3A_245] : memref<200x4x32x8x128xf32, #tpu.memory_space<hbm>> -> memref<1x1x1x8x128xf32, #tpu.memory_space<hbm>>
    %dma_wait3A_247 = tpu.memref_squeeze %dma_wait3A_246 : memref<1x1x1x8x128xf32, #tpu.memory_space<hbm>> -> memref<8x128xf32, #tpu.memory_space<hbm>>
    %dma_wait3A_248 = arith.constant 0 : i32
    %dma_wait3A_249 = arith.constant 0 : i32
    %dma_wait3A_250 = tpu.memref_slice %arg4[%dma_wait3A_238, %dma_wait3A_239, %dma_wait3A_240, %dma_wait3A_248, %dma_wait3A_249] : memref<200x4x32x8x128xf32, #tpu.memory_space<hbm>> -> memref<1x1x1x8x128xf32, #tpu.memory_space<hbm>>
    %dma_wait3A_251 = tpu.memref_squeeze %dma_wait3A_250 : memref<1x1x1x8x128xf32, #tpu.memory_space<hbm>> -> memref<8x128xf32, #tpu.memory_space<hbm>>
    %dma_wait3A_252 = arith.constant 0 : i32
    %dma_wait3A_253 = arith.constant 0 : i32
    %dma_wait3A_254 = tpu.memref_slice %arg13[%dma_wait3A_252, %dma_wait3A_253] : memref<32x128xf32, #tpu.memory_space<vmem>> -> memref<8x128xf32, #tpu.memory_space<vmem>>
    tpu.wait_dma2 semaphore(%arg21 : memref<!tpu.dma_semaphore, #tpu.memory_space<semaphore_mem>>) src(%dma_wait3A_254 : memref<8x128xf32, #tpu.memory_space<vmem>>) dst(%dma_wait3A_251 : memref<8x128xf32, #tpu.memory_space<hbm>>)
    %dma_wait3A_255 = arith.constant 0 : i32
    %dma_wait3A_256 = arith.constant 1 : i32
    %dma_wait3A_257 = arith.constant 0 : i32
    %dma_wait3A_258 = arith.constant 8 : i32
    %dma_wait3A_259 = arith.constant 0 : i32
    %dma_wait3A_260 = tpu.memref_slice %arg13[%dma_wait3A_258, %dma_wait3A_259] : memref<32x128xf32, #tpu.memory_space<vmem>> -> memref<8x128xf32, #tpu.memory_space<vmem>>
    %dma_wait3A_261 = arith.constant 0 : i32
    %dma_wait3A_262 = arith.constant 0 : i32
    %dma_wait3A_263 = tpu.memref_slice %arg4[%dma_wait3A_255, %dma_wait3A_256, %dma_wait3A_257, %dma_wait3A_261, %dma_wait3A_262] : memref<200x4x32x8x128xf32, #tpu.memory_space<hbm>> -> memref<1x1x1x8x128xf32, #tpu.memory_space<hbm>>
    %dma_wait3A_264 = tpu.memref_squeeze %dma_wait3A_263 : memref<1x1x1x8x128xf32, #tpu.memory_space<hbm>> -> memref<8x128xf32, #tpu.memory_space<hbm>>
    %dma_wait3A_265 = arith.constant 0 : i32
    %dma_wait3A_266 = arith.constant 0 : i32
    %dma_wait3A_267 = tpu.memref_slice %arg4[%dma_wait3A_255, %dma_wait3A_256, %dma_wait3A_257, %dma_wait3A_265, %dma_wait3A_266] : memref<200x4x32x8x128xf32, #tpu.memory_space<hbm>> -> memref<1x1x1x8x128xf32, #tpu.memory_space<hbm>>
    %dma_wait3A_268 = tpu.memref_squeeze %dma_wait3A_267 : memref<1x1x1x8x128xf32, #tpu.memory_space<hbm>> -> memref<8x128xf32, #tpu.memory_space<hbm>>
    %dma_wait3A_269 = arith.constant 8 : i32
    %dma_wait3A_270 = arith.constant 0 : i32
    %dma_wait3A_271 = tpu.memref_slice %arg13[%dma_wait3A_269, %dma_wait3A_270] : memref<32x128xf32, #tpu.memory_space<vmem>> -> memref<8x128xf32, #tpu.memory_space<vmem>>
    tpu.wait_dma2 semaphore(%arg21 : memref<!tpu.dma_semaphore, #tpu.memory_space<semaphore_mem>>) src(%dma_wait3A_271 : memref<8x128xf32, #tpu.memory_space<vmem>>) dst(%dma_wait3A_268 : memref<8x128xf32, #tpu.memory_space<hbm>>)
    %dma_wait3A_272 = arith.constant 0 : i32
    %dma_wait3A_273 = arith.constant 2 : i32
    %dma_wait3A_274 = arith.constant 0 : i32
    %dma_wait3A_275 = arith.constant 16 : i32
    %dma_wait3A_276 = arith.constant 0 : i32
    %dma_wait3A_277 = tpu.memref_slice %arg13[%dma_wait3A_275, %dma_wait3A_276] : memref<32x128xf32, #tpu.memory_space<vmem>> -> memref<8x128xf32, #tpu.memory_space<vmem>>
    %dma_wait3A_278 = arith.constant 0 : i32
    %dma_wait3A_279 = arith.constant 0 : i32
    %dma_wait3A_280 = tpu.memref_slice %arg4[%dma_wait3A_272, %dma_wait3A_273, %dma_wait3A_274, %dma_wait3A_278, %dma_wait3A_279] : memref<200x4x32x8x128xf32, #tpu.memory_space<hbm>> -> memref<1x1x1x8x128xf32, #tpu.memory_space<hbm>>
    %dma_wait3A_281 = tpu.memref_squeeze %dma_wait3A_280 : memref<1x1x1x8x128xf32, #tpu.memory_space<hbm>> -> memref<8x128xf32, #tpu.memory_space<hbm>>
    %dma_wait3A_282 = arith.constant 0 : i32
    %dma_wait3A_283 = arith.constant 0 : i32
    %dma_wait3A_284 = tpu.memref_slice %arg4[%dma_wait3A_272, %dma_wait3A_273, %dma_wait3A_274, %dma_wait3A_282, %dma_wait3A_283] : memref<200x4x32x8x128xf32, #tpu.memory_space<hbm>> -> memref<1x1x1x8x128xf32, #tpu.memory_space<hbm>>
    %dma_wait3A_285 = tpu.memref_squeeze %dma_wait3A_284 : memref<1x1x1x8x128xf32, #tpu.memory_space<hbm>> -> memref<8x128xf32, #tpu.memory_space<hbm>>
    %dma_wait3A_286 = arith.constant 16 : i32
    %dma_wait3A_287 = arith.constant 0 : i32
    %dma_wait3A_288 = tpu.memref_slice %arg13[%dma_wait3A_286, %dma_wait3A_287] : memref<32x128xf32, #tpu.memory_space<vmem>> -> memref<8x128xf32, #tpu.memory_space<vmem>>
    tpu.wait_dma2 semaphore(%arg21 : memref<!tpu.dma_semaphore, #tpu.memory_space<semaphore_mem>>) src(%dma_wait3A_288 : memref<8x128xf32, #tpu.memory_space<vmem>>) dst(%dma_wait3A_285 : memref<8x128xf32, #tpu.memory_space<hbm>>)
    %dma_wait3A_289 = arith.constant 0 : i32
    %dma_wait3A_290 = arith.constant 3 : i32
    %dma_wait3A_291 = arith.constant 0 : i32
    %dma_wait3A_292 = arith.constant 24 : i32
    %dma_wait3A_293 = arith.constant 0 : i32
    %dma_wait3A_294 = tpu.memref_slice %arg13[%dma_wait3A_292, %dma_wait3A_293] : memref<32x128xf32, #tpu.memory_space<vmem>> -> memref<8x128xf32, #tpu.memory_space<vmem>>
    %dma_wait3A_295 = arith.constant 0 : i32
    %dma_wait3A_296 = arith.constant 0 : i32
    %dma_wait3A_297 = tpu.memref_slice %arg4[%dma_wait3A_289, %dma_wait3A_290, %dma_wait3A_291, %dma_wait3A_295, %dma_wait3A_296] : memref<200x4x32x8x128xf32, #tpu.memory_space<hbm>> -> memref<1x1x1x8x128xf32, #tpu.memory_space<hbm>>
    %dma_wait3A_298 = tpu.memref_squeeze %dma_wait3A_297 : memref<1x1x1x8x128xf32, #tpu.memory_space<hbm>> -> memref<8x128xf32, #tpu.memory_space<hbm>>
    %dma_wait3A_299 = arith.constant 0 : i32
    %dma_wait3A_300 = arith.constant 0 : i32
    %dma_wait3A_301 = tpu.memref_slice %arg4[%dma_wait3A_289, %dma_wait3A_290, %dma_wait3A_291, %dma_wait3A_299, %dma_wait3A_300] : memref<200x4x32x8x128xf32, #tpu.memory_space<hbm>> -> memref<1x1x1x8x128xf32, #tpu.memory_space<hbm>>
    %dma_wait3A_302 = tpu.memref_squeeze %dma_wait3A_301 : memref<1x1x1x8x128xf32, #tpu.memory_space<hbm>> -> memref<8x128xf32, #tpu.memory_space<hbm>>
    %dma_wait3A_303 = arith.constant 24 : i32
    %dma_wait3A_304 = arith.constant 0 : i32
    %dma_wait3A_305 = tpu.memref_slice %arg13[%dma_wait3A_303, %dma_wait3A_304] : memref<32x128xf32, #tpu.memory_space<vmem>> -> memref<8x128xf32, #tpu.memory_space<vmem>>
    tpu.wait_dma2 semaphore(%arg21 : memref<!tpu.dma_semaphore, #tpu.memory_space<semaphore_mem>>) src(%dma_wait3A_305 : memref<8x128xf32, #tpu.memory_space<vmem>>) dst(%dma_wait3A_302 : memref<8x128xf32, #tpu.memory_space<hbm>>)
    return
  }
}

</mosaic_0001>

<sc_bundles>
// kernel: kernel.3.cloned.1.call-start
scs
__scs_entry_jumppad:
0x0: {  	(pc) =	sbr.rel $0x88, $3  }
0x1: {  	(tag) =	ssettag $0x0;
	lr =	simm.s32 $0x1  }
0x2: {  	[smem:$0x3F9F] =	sst lr;
	_ =	strace $0xD0000000  }
0x3: {  	_ = 	snop  }
0x4: {  	_ = 	snop  }
0x5: {  	_ = 	snop  }
0x6: {  	_ = 	snop  }
0x7: {  	_ = 	snop  }
__scs_overlays_trampoline_lowered:
0x8: {  	[smem:$0x3FAE] =	sst s0  }
0x9: {  	[smem:$0x3FAF] =	sst s1  }
0xa: {  	[smem:$0x3FB0] =	sst s2  }
0xb: {  	[smem:$0x3FB1] =	sst s3  }
0xc: {  	[smem:$0x3FB2] =	sst s4  }
0xd: {  	[smem:$0x3FB3] =	sst s5  }
0xe: {  	[smem:$0x3FB4] =	sst s6  }
0xf: {  	[smem:$0x3FB5] =	sst s7  }
0x10: {  	[smem:$0x3FB6] =	sst s8  }
0x11: {  	[smem:$0x3FB7] =	sst s9;
	s0 =	simm.s32 @!p0 $0x0  }
0x12: {  	s1 =	sld [smem:$0x3F9D];
	s0 =	simm.s32 @p0 $0x1  }
0x13: {  	[smem:$0x3FB8] =	sst s0;
	s0 =	simm.s32 @!p1 $0x0  }
0x14: {  	s2 =	sld [smem:$0x3F9C];
	s0 =	simm.s32 @p1 $0x1  }
0x15: {  	[smem:$0x3FB9] =	sst s0;
	s0 =	simm.s32 @!p2 $0x0  }
0x16: {  	s3 =	sld [smem:$0x3FDB];
	s0 =	simm.s32 @p2 $0x1  }
0x17: {  	s4 =	simm.s32 $0x1BF5;
	[smem:$0x3FBB] =	sst s0  }
0x18: {  	s0 =	sld [smem:$0x3F9E];
	_ =	swait.ge [sflag:s4], $0x0  }
0x19: {  	s7 =	sld [smem:$0x3F9F]  }
0x1a: {  	s8 =	sadd.s32 $0xFFFFE003, lr  }
0x1b: {  	s9 =	sadd.s32 $0xFFFFFEF7, lr;
	s5 =	simm.s32 $0xFFFFFFFF;
	p2 =	slt.u32 s8, $0xFFFFF086  }
0x1c: {  	p1 =	slt.u32 s9, $0xF7A;
	s5 =	simm.s32 @!p2 $0x0  }
0x1d: {  	s5 =	simm.s32 @p1 $0x1;
	p0 =	seq.s32 s7, s2  }
0x1e: {  	s7 =	smul.u32 @!p0 $0xF7A, s2;
	p2 =	seq.s32 @!p0 s5, $0x0  }
0x1f: {  	s9 =	smul.u32 $0xF7A, s1;
	s8 =	simm.s32 @!p0 $0x1BF5;
	p2 =	por !p2, p0  }
0x20: {  	[sflag:s8] =	ssyncset.s32 @!p0 $0xFFFFF086;
	s6 =	sadd.s32 @!p0 s3, s7;
	s7 =	simm.s32 @!p0 $0x108  }
0x21: {  	s3 =	sadd.s32 s3, s9;
	s6 =	sadd.s32 @!p0 $0x88, s6;
	s7 =	simm.s32 @p2 $0x1082  }
0x22: {  	[simem:s7], [sflag:s8] =	dma.local @!p0 [hbm:s6], $0xF7A  }
0x23: {  	s9 =	sor.u32 $0xD0000000, s2;
	s6 =	simm.s32 $0x108;
	_ =	swait.ge @!p0 [sflag:s8], $0x0  }
0x24: {  	s3 =	sadd.s32 $0x88, s3;
	s6 =	simm.s32 @!p1 $0x1082;
	[sflag:s4] =	ssyncset.s32 $0xFFFFF086  }
0x25: {  	[simem:s6], [sflag:s4] =	dma.local [hbm:s3], $0xF7A  }
0x26: {  	[smem:$0x3F9F] =	sst s1;
	(tag) =	ssettag s2;
	_ =	strace s9  }
0x27: {  	s1 =	sld [smem:$0x3FAF]  }
0x28: {  	s2 =	sld [smem:$0x3FB0]  }
0x29: {  	s4 =	sld [smem:$0x3FB2]  }
0x2a: {  	p0 =	seq.s32 s5, $0x0;
	s5 =	sld [smem:$0x3FB3]  }
0x2b: {  	s6 =	sld [smem:$0x3FB4]  }
0x2c: {  	s7 =	sld [smem:$0x3FB5]  }
0x2d: {  	s3 =	simm.s32 $0x108;
	s8 =	sld [smem:$0x3FB6]  }
0x2e: {  	s3 =	simm.s32 @!p0 $0x1082;
	s9 =	sld [smem:$0x3FB7]  }
0x2f: {  	lr =	sadd.s32 s0, s3;
	s0 =	sld [smem:$0x3FAE]  }
0x30: {  	s3 =	sld [smem:$0x3FB1]  }
0x31: {  	[smem:$0x3FBA] =	sst s10  }
0x32: {  	s10 =	sld [smem:$0x3FB8];
	_ =	sdelay $0x3  }
0x33: {  	p0 =	seq.s32 s10, $0x1;
	s10 =	sld [smem:$0x3FBA];
	_ =	sdelay $0x3  }
0x34: {  	[smem:$0x3FBA] =	sst s10  }
0x35: {  	s10 =	sld [smem:$0x3FB9];
	_ =	sdelay $0x3  }
0x36: {  	p1 =	seq.s32 s10, $0x1;
	s10 =	sld [smem:$0x3FBA];
	_ =	sdelay $0x3  }
0x37: {  	[smem:$0x3FBA] =	sst s10  }
0x38: {  	s10 =	sld [smem:$0x3FBB]  }
0x39: {  	_ = 	snop;
	(pc) =	sbr.ind lr, $3  }
0x3a: {  	_ = 	snop  }
0x3b: {  	_ = 	snop  }
0x3c: {  	p2 =	seq.s32 s10, $0x1;
	s10 =	sld [smem:$0x3FBA]  }
0x3d: {  	_ =	shalt  }
0x3e: {  	_ =	shalt  }
0x3f: {  	_ =	shalt  }
0x40: {  	_ =	shalt  }
0x41: {  	_ =	shalt  }
0x42: {  	_ =	shalt  }
0x43: {  	_ =	shalt  }
0x44: {  	_ =	shalt  }
0x45: {  	_ =	shalt  }
0x46: {  	_ =	shalt  }
0x47: {  	_ =	shalt  }
0x48: {  	_ =	shalt  }
0x49: {  	_ =	shalt  }
0x4a: {  	_ =	shalt  }
0x4b: {  	_ =	shalt  }
0x4c: {  	_ =	shalt  }
0x4d: {  	_ =	shalt  }
0x4e: {  	_ =	shalt  }
0x4f: {  	_ =	shalt  }
0x50: {  	_ =	shalt  }
0x51: {  	_ =	shalt  }
0x52: {  	_ =	shalt  }
0x53: {  	_ =	shalt  }
0x54: {  	_ =	shalt  }
0x55: {  	_ =	shalt  }
0x56: {  	_ =	shalt  }
0x57: {  	_ =	shalt  }
0x58: {  	_ =	shalt  }
0x59: {  	_ =	shalt  }
0x5a: {  	_ =	shalt  }
0x5b: {  	_ =	shalt  }
0x5c: {  	_ =	shalt  }
0x5d: {  	_ =	shalt  }
0x5e: {  	_ =	shalt  }
0x5f: {  	_ =	shalt  }
0x60: {  	_ =	shalt  }
0x61: {  	_ =	shalt  }
0x62: {  	_ =	shalt  }
0x63: {  	_ =	shalt  }
0x64: {  	_ =	shalt  }
0x65: {  	_ =	shalt  }
0x66: {  	_ =	shalt  }
0x67: {  	_ =	shalt  }
0x68: {  	_ =	shalt  }
0x69: {  	_ =	shalt  }
0x6a: {  	_ =	shalt  }
0x6b: {  	_ =	shalt  }
0x6c: {  	_ =	shalt  }
0x6d: {  	_ =	shalt  }
0x6e: {  	_ =	shalt  }
0x6f: {  	_ =	shalt  }
0x70: {  	_ =	shalt  }
0x71: {  	_ =	shalt  }
0x72: {  	_ =	shalt  }
0x73: {  	_ =	shalt  }
0x74: {  	_ =	shalt  }
0x75: {  	_ =	shalt  }
0x76: {  	_ =	shalt  }
0x77: {  	_ =	shalt  }
0x78: {  	_ =	shalt  }
0x79: {  	_ =	shalt  }
0x7a: {  	_ =	shalt  }
0x7b: {  	_ =	shalt  }
0x7c: {  	_ =	shalt  }
0x7d: {  	_ =	shalt  }
0x7e: {  	_ =	shalt  }
0x7f: {  	_ =	shalt  }
0x80: {  	_ =	shalt  }
0x81: {  	_ =	shalt  }
0x82: {  	_ =	shalt  }
0x83: {  	_ =	shalt  }
0x84: {  	_ =	shalt  }
0x85: {  	_ =	shalt  }
0x86: {  	_ =	shalt  }
0x87: {  	_ =	shalt  }
.Lfunc_end0:
.L_simem_size_0:
called_computation_lowered:
.L_overlay_start_0:
0x88: {  	s2 =	sld [smem:$0x3FD9]  }
0x89: {  	s3 =	sld [smem:$0x3FFE];
	_ =	sdelay $0x1  }
0x8a: {  	s1 =	srdreg.scid  }
0x8b: {  	s0 =	sand.u32 $0x1, s1  }
0x8c: {  	s17 =	sshll.u32 s0, $0xA;
	s2 =	sadd.s32 s3, s2  }
0x8d: {  	s2 =	sadd.s32 s2, s17  }
0x8e: {  	[smem:$0x3FC6] =	sst s2  }
0x8f: {  	_ = 	snop  }
0x90: {  	s2 =	sld [smem:$0x3FD0];
	(tm) =	ssettm $0x1  }
0x91: {  	s18 =	sld [smem:$0x3FFB];
	_ =	sdelay $0x3  }
0x92: {  	_ =	strace s18  }
0x93: {  	s3 =	sld [smem:$0x3FFC];
	_ =	sdelay $0x3  }
0x94: {  	_ =	strace s3  }
0x95: {  	s3 =	sld [smem:$0x3FFD];
	_ =	sdelay $0x3  }
0x96: {  	_ =	strace s3  }
0x97: {  	_ =	strace $0x8FFFFFFF  }
0x98: {  	s19 =	sld [smem:$0x3FDB];
	_ =	sdelay $0x1  }
0x99: {  	s4 =	simm.s32 $_scs_section_size  }
0x9a: {  	s5 =	simm.s32 $_size__tile_overlayer_lowered;
	s6 =	simm.s32 $_tile_overlayer_lowered  }
0x9b: {  	s22 =	simm.s32 $0x1BFF;
	s21 =	sshll.u32 s6, $0x1;
	s3 =	sadd.s32 s4, s19  }
0x9c: {  	s7 =	simm.s32 $0x0;
	s20 =	sshll.u32 s5, $0x1;
	s5 =	sadd.s32 s21, s3  }
0x9d: {  	[timem:s7], [sflag:s22] =	dma.local [hbm:s5], s20  }
0x9e: {  	_ =	swait.ge [sflag:s22], s20  }
0x9f: {  	s4 =	ssub.s32 $0x0, s20;
	[sflag:s22] =	ssyncset.done $0x0  }
0xa0: {  	[sflag:s22] =	ssyncadd.s32 s4;
	_ =	sdelay $0x1  }
0xa1: {  	s23 =	simm.s32 $0x1B8B  }
0xa2: {  	_ =	swait.ge [sflag:s23], $0x1  }
0xa3: {  	[sflag:s23] =	ssyncset.done $0x0  }
0xa4: {  	s25 =	simm.s32 $0x1B8E;
	s24 =	sld [smem:$0x3FFE];
	[sflag:s23] =	ssyncadd.s32 $0xFFFFFFFF  }
0xa5: {  	s26 =	simm.s32 $execute0_lowered;
	[smem:$0x3FD2] =	sst s25  }
0xa6: {  	s5 =	sshll.u32 s26, $0x1;
	_ =	strace $0x80000046;
	[dreg:$0x1] =	wrdreg $0xFFFFFFFF  }
0xa7: {  	s28 =	simm.s32 $_size_execute0_lowered;
	s3 =	sadd.s32 s3, s5;
	[dreg:$0x0] =	wrdreg $0x0  }
0xa8: {  	s5 =	sshll.u32 s28, $0x1;
	[dreg:$0x2] =	wrdreg s3  }
0xa9: {  	[dreg:$0x3] =	wrdreg s5  }
0xaa: {  	[dreg:$0x4] =	wrdreg $0xC0  }
0xab: {  	_ =	task [dreg:s7], $0x5FFFF  }
0xac: {  	[dreg:$0x1] =	wrdreg $0xFFFFFFFF  }
0xad: {  	[dreg:$0x0] =	wrdreg $0x60  }
0xae: {  	[dreg:$0x2] =	wrdreg s24  }
0xaf: {  	[dreg:$0x3] =	wrdreg s2  }
0xb0: {  	[dreg:$0x4] =	wrdreg $0x9  }
0xb1: {  	_ =	task.clear_ibuf [dreg:s7], $0x5FFFF;
	_ =	strace $0x90000046  }
0xb2: {  	s29 =	simm.s32 $0x9;
	_ =	strace $0x80000048  }
0xb3: {  	_ =	swait.ge [sflag:s29], $0x1  }
0xb4: {  	[sflag:s29] =	ssyncadd.s32 $0xFFFFFFFF  }
0xb5: {  	_ =	strace $0x90000048  }
0xb6: {  	_ =	sfence  }
0xb7: {  	s30 =	sld [smem:$0x0];
	_ =	sdelay $0x2  }
0xb8: {  	s31 =	sshll.u32 s1, $0xD;
	s1 =	sshrl.u32 s1, $0x2  }
0xb9: {  	s3 =	sand.u32 $0x4000, s31;
	s1 =	sadd.s32 s1, s30  }
0xba: {  	s0 =	sor.u32 s3, s0;
	s1 =	sshll.u32 s1, $0x11  }
0xbb: {  	s0 =	sor.u32 s1, s0  }
0xbc: {  	s0 =	sadd.s32 $0x8F2B, s0  }
0xbd: {  	[sflag:s0] =	ssyncadd.remote.s32 $0x1  }
0xbe: {  	_ =	sfence.sel $0xFFFF  }
0xbf: {  	[dreg:$0x0] =	wrdreg $0xFFFFFFFF;
	(pc) =	sbr.abs _section_cstart, $3  }
0xc0: {  	[dreg:$0x1] =	wrdreg $0xFFFFFFFF  }
0xc1: {  	_ =	task.clear_ibuf [dreg:s7], $0x2FFFF;
	_ =	strace $0x9FFFFFFF  }
0xc2: {  	(tm) =	ssettm $0x7FFFFFFF  }
0xc3: {  	_ =	shalt  }
tec
execute0_lowered:
.L_overlay_start_1:
0x0: {  	(tag) =	ssettag $0x1  }
0x1: {  	s0 =	rddreg [dreg:$0x0];
	s1 =	srdreg.scid  }
0x2: {  	s2 =	stileid.u32;
	s7 =	rddreg [dreg:$0x1];
	s3 =	simm.s32 $0x0  }
0x3: {  	s30 =	simm.s32 $0x2;
	s31 =	simm.s32 $0xB400;
	s23 =	simm.s32 $0xC400  }
0x4: {  	s29 =	simm.s32 $0x4;
	s1 =	sand.u32 $0x1, s1;
	s2 =	sshll.u32 s2, $0x1  }
0x5: {  	[smem:$0x7FF] =	sst s3;
	s28 =	sadd.s32 $0x1000, s7;
	s8 =	sadd.s32 $0x2000, s7  }
0x6: {  	s9 =	sadd.s32 $0x3000, s7;
	s10 =	sadd.s32 $0x4000, s7;
	s11 =	sadd.s32 $0x5000, s7  }
0x7: {  	s12 =	sadd.s32 $0x6000, s7;
	s13 =	sadd.s32 $0x7000, s7;
	s14 =	sadd.s32 $0x8000, s7  }
0x8: {  	s15 =	sadd.s32 $0x9000, s7;
	s16 =	sadd.s32 $0xA000, s7;
	s17 =	sadd.s32 $0xB000, s7  }
0x9: {  	v0 =	vlaneseq.u32;
	s18 =	sadd.s32 $0xC000, s7;
	s19 =	sadd.s32 $0xD000, s7;
	s20 =	sadd.s32 $0xE000, s7  }
0xa: {  	v1 =	vimm.s32 $0x0;
	vm0 =	vcmask $0x300;
	s21 =	sadd.s32 $0xF000, s7;
	v0 =	vmul.u32 $0x80, v0;
	s2 =	sor.u32 s1, s2;
	s1 =	ssub.s32 $0x2, s1  }
0xb: {  	v1 =	vsel vm0, $0x3, v1;
	_ =	strace $0x80000047;
	[dreg:$0x5] =	wrdreg s28;
	s4 =	sshll.u32 s2, $0x4  }
0xc: {  	s6 =	sshrl.u32 s1, $0x1;
	s26 =	sshll.u32 s2, $0x7;
	v2 =	vor.u32 $0x800, v0;
	v3 =	vor.u32 $0x1, v0;
	v4 =	vor.u32 $0x801, v0;
	s5 =	sadd.s32 s4, s0  }
0xd: {  	v5 =	vor.u32 $0x2, v0;
	v6 =	vor.u32 $0x802, v0;
	v7 =	vor.u32 $0x3, v0;
	s4 =	sadd.s32 $0xF42A00, s0;
	s24 =	ssub.s32 s1, s6;
	[dreg:$0x4] =	wrdreg s26  }
0xe: {  	v8 =	vor.u32 $0x803, v0;
	v9 =	vor.u32 $0x4, v0;
	v10 =	vor.u32 $0x804, v0;
	s1 =	simm.s32 $0xD400;
	s6 =	simm.s32 $0x0;
	s25 =	sadd.s32 $0x600, s5  }
0xf: {  	v11 =	vor.u32 $0x5, v0;
	v12 =	vor.u32 $0x805, v0;
	v13 =	vor.u32 $0x6, v0;
	s0 =	smax.u32 s24, $0x1;
	s24 =	simm.s32 $0xA400;
	[dreg:$0x3] =	wrdreg s25  }
0x10: {  	v14 =	vor.u32 $0x806, v0;
	v15 =	vor.u32 $0x7, v0;
	v16 =	vor.u32 $0x807, v0;
	[dreg:$0x6] =	wrdreg s0;
	s0 =	simm.s32 $0x1;
	s25 =	simm.s32 $0x3  }
.LBB2_1:
0x11: {  	[dreg:$0x7] =	wrdreg s6  }
0x12: {  	s2 =	rddreg [dreg:$0x3]  }
0x13: {  	s5 =	simm.s32 $0x80;
	s22 =	simm.s32 $0x1000;
	s26 =	simm.s32 $0x9  }
0x14: {  	[tilespmem:s3], [sflag:$0x9] =	stream.strided.gather [hbm4b:s2+s5], $0x6400, s22, s5, $0x38;
	[tilespmem:$0xE400] =	vst v63  }
0x15: {  	_ =	swait.ge [sflag:s26], $0x6400  }
0x16: {  	[sflag:s26] =	ssyncset.done $0x0  }
0x17: {  	s28 =	simm.s32 $0x6400;
	[sflag:s26] =	ssyncadd.s32 $0xFFFF9C00  }
0x18: {  	[tilespmem:s28], [sflag:$0x1] =	stream.indirect.gather [hbm4b:s4+s5], $0x20, s3, s5, $0xb8;
	[tilespmem:$0xE400] =	vst v63  }
0x19: {  	s6 =	simm.s32 $0x7400  }
0x1a: {  	[tilespmem:s6], [sflag:$0x2] =	stream.indirect.gather [hbm4b:s4+s5], $0x20, s5, s5, $0xb8;
	[tilespmem:$0xE400] =	vst v63  }
0x1b: {  	s7 =	simm.s32 $0x100;
	s22 =	simm.s32 $0x8400  }
0x1c: {  	[tilespmem:s22], [sflag:$0x3] =	stream.indirect.gather [hbm4b:s4+s5], $0x20, s7, s5, $0xb8;
	[tilespmem:$0xE400] =	vst v63  }
0x1d: {  	s26 =	simm.s32 $0x180;
	s28 =	simm.s32 $0x9400  }
0x1e: {  	[tilespmem:s28], [sflag:$0x4] =	stream.indirect.gather [hbm4b:s4+s5], $0x20, s26, s5, $0xb8;
	[tilespmem:$0xE400] =	vst v63  }
0x1f: {  	s26 =	simm.s32 $0x0  }
.LBB2_2:
0x20: {  	_ =	swait.ge [sflag:s0], $0x1000  }
0x21: {  	p0 =	seq.s32 s26, $0x0;
	[sflag:s0] =	ssyncset.done $0x0  }
0x22: {  	s2 =	simm.s32 @!p0 $0x5;
	[sflag:s0] =	ssyncadd.s32 $0xFFFFF000  }
0x23: {  	_ =	swait.ge @!p0 [sflag:s2], $0x400  }
0x24: {  	[sflag:s2] =	ssyncset.done @!p0 $0x0  }
0x25: {  	[sflag:s2] =	ssyncadd.s32 @!p0 $0xFFFFFC00  }
0x26: {  	_ =	swait.ge @!p0 [sflag:s2], $0x400  }
0x27: {  	s5 =	simm.s32 $0x0;
	s22 =	simm.s32 $0x1;
	[sflag:s2] =	ssyncset.done @!p0 $0x0  }
0x28: {  	s6 =	simm.s32 $0x2;
	s7 =	simm.s32 $0x3;
	v17 =	vmov s5;
	[sflag:s2] =	ssyncadd.s32 @!p0 $0xFFFFFC00  }
0x29: {  	v18 =	vmov s22;
	v19 =	vmov s6;
	s6 =	simm.s32 $0x4;
	s22 =	simm.s32 $0x7;
	v20 =	vmov s7;
	_ =	swait.ge @!p0 [sflag:s2], $0x400  }
0x2a: {  	s7 =	simm.s32 $0x5;
	v17 =	vshrl.u32 v17, $0x3;
	v21 =	vmov s6;
	v22 =	vmov s22;
	[sflag:s2] =	ssyncset.done @!p0 $0x0  }
0x2b: {  	v23 =	vmov s7;
	v18 =	vshrl.u32 v18, $0x3;
	v22 =	vshrl.u32 v22, $0x3;
	[sflag:s2] =	ssyncadd.s32 @!p0 $0xFFFFFC00  }
0x2c: {  	v19 =	vshrl.u32 v19, $0x3;
	v20 =	vshrl.u32 v20, $0x3;
	v22 =	vshll.u32 v22, v1;
	_ =	swait.ge @!p0 [sflag:s2], $0x400  }
0x2d: {  	s22 =	simm.s32 $0x6;
	v17 =	vshll.u32 v17, v1;
	v18 =	vshll.u32 v18, v1;
	v25 =	vbroadcast v22, $0x0;
	[sflag:s2] =	ssyncset.done @!p0 $0x0  }
0x2e: {  	s28 =	simm.s32 $0x6480;
	v24 =	vmov s22;
	v17 =	vbroadcast v17, $0x0;
	v32 =	vbroadcast v18, $0x0;
	[sflag:s2] =	ssyncadd.s32 @!p0 $0xFFFFFC00  }
0x2f: {  	v18 =	vshll.u32 v19, v1;
	v22 =	vshrl.u32 v21, $0x3;
	v26 =	vor.u32 v15, v25;
	v19 =	vld [tilespmem:s28+$0x60]  }
0x30: {  	v37 =	vbroadcast v18, $0x0;
	v18 =	vshll.u32 v20, v1;
	v28 =	vor.u32 v0, v17;
	v27 =	vld [tilespmem:s28+$0xFFFFFF80]  }
0x31: {  	v30 =	vor.u32 v3, v32;
	v21 =	vbroadcast v18, $0x0;
	v18 =	vshll.u32 v22, v1;
	v29 =	vld [tilespmem:s28+$0xFFFFFFA0]  }
0x32: {  	v33 =	vor.u32 v5, v37;
	v20 =	vbroadcast v18, $0x0;
	v18 =	vshrl.u32 v23, $0x3;
	v31 =	vld [tilespmem:s28+$0xFFFFFFC0]  }
0x33: {  	v23 =	vshrl.u32 v24, $0x3;
	v39 =	vor.u32 v7, v21;
	v18 =	vshll.u32 v18, v1;
	v34 =	vld [tilespmem:s28+$0xFFFFFFE0]  }
0x34: {  	s6 =	simm.s32 $0x9;
	v41 =	vor.u32 v9, v20;
	v22 =	vbroadcast v18, $0x0;
	v18 =	vshll.u32 v23, v1;
	v40 =	vld [tilespmem:s28+$0x0];
	[tilespmem:v26+s24+$0x0] =	vst.idx.msk $0xffff, v19  }
0x35: {  	s7 =	simm.s32 $0xA;
	v36 =	vmov s6;
	v25 =	vor.u32 v16, v25;
	v23 =	vbroadcast v18, $0x0;
	[tilespmem:v28+s24+$0x0] =	vst.idx.msk $0xffff, v27;
	v24 =	vld [tilespmem:s28+$0x70]  }
0x36: {  	s5 =	simm.s32 $0x8;
	v38 =	vmov s7;
	v35 =	vor.u32 v4, v32;
	[tilespmem:v30+s24+$0x0] =	vst.idx.msk $0xffff, v29;
	v26 =	vld [tilespmem:s28+$0x20];
	v27 =	vor.u32 v11, v22  }
0x37: {  	s22 =	simm.s32 $0xB;
	s7 =	simm.s32 $0xD;
	v37 =	vor.u32 v6, v37;
	v19 =	vmov s5;
	[tilespmem:v33+s24+$0x0] =	vst.idx.msk $0xffff, v31;
	v29 =	vld [tilespmem:s28+$0x40];
	v30 =	vor.u32 v13, v23  }
0x38: {  	s6 =	simm.s32 $0xC;
	v18 =	vmov s7;
	v28 =	vmov s22;
	s22 =	simm.s32 $0xE;
	[tilespmem:v39+s24+$0x0] =	vst.idx.msk $0xffff, v34;
	v19 =	vshrl.u32 v19, $0x3;
	v33 =	vld [tilespmem:s28+$0xFFFFFFB0]  }
0x39: {  	s2 =	simm.s32 $0xF;
	v31 =	vmov s6;
	s5 =	sshll.u32 s26, $0xB;
	[tilespmem:v41+s24+$0x0] =	vst.idx.msk $0xffff, v40;
	v34 =	vld [tilespmem:s28+$0xFFFFFFD0];
	v32 =	vshll.u32 v19, v1;
	v19 =	vmov s22;
	s22 =	simm.s32 $0x10  }
.LBB2_3:
0x3a: {  	p1 =	slt.u32 s22, $0x78;
	v36 =	vshrl.u32 v36, $0x3;
	v39 =	vmov s2;
	v40 =	vld [tilespmem:s28+$0xFFFFFFF0];
	v21 =	vor.u32 v8, v21;
	[tilespmem:v25+s24+$0x0] =	vst.idx.msk $0xffff, v24  }
0x3b: {  	v24 =	vshrl.u32 v38, $0x3;
	v20 =	vor.u32 v10, v20;
	v25 =	vshrl.u32 v39, $0x3;
	v38 =	vld [tilespmem:s28+$0x10];
	[tilespmem:v27+s24+$0x0] =	vst.idx.msk $0xffff, v26  }
0x3c: {  	v22 =	vor.u32 v12, v22;
	v26 =	vshrl.u32 v28, $0x3;
	v25 =	vshll.u32 v25, v1;
	v27 =	vld [tilespmem:s28+$0x30];
	[tilespmem:v30+s24+$0x0] =	vst.idx.msk $0xffff, v29  }
0x3d: {  	v23 =	vor.u32 v14, v23;
	v28 =	vshrl.u32 v31, $0x3;
	v25 =	vbroadcast v25, $0x0;
	[tilespmem:v35+s24+$0x0] =	vst.idx.msk $0xffff, v33;
	v29 =	vld [tilespmem:s28+$0x50]  }
0x3e: {  	v30 =	vshll.u32 v36, v1;
	v33 =	vor.u32 v2, v17;
	v17 =	vbroadcast v32, $0x0;
	v31 =	vld [tilespmem:s28+$0xFFFFFF90];
	[tilespmem:v37+s24+$0x0] =	vst.idx.msk $0xffff, v34;
	s28 =	sadd.s32 $0x100, s28  }
0x3f: {  	v24 =	vshll.u32 v24, v1;
	v32 =	vbroadcast v30, $0x0;
	v30 =	vld [tilespmem:s28+$0x60];
	v34 =	vor.u32 v15, v25;
	[tilespmem:v21+s24+$0x0] =	vst.idx.msk $0xffff, v40  }
0x40: {  	v37 =	vbroadcast v24, $0x0;
	v36 =	vor.u32 v0, v17;
	v21 =	vshll.u32 v26, v1;
	v35 =	vld [tilespmem:s28+$0xFFFFFF80];
	[tilespmem:v20+s24+$0x0] =	vst.idx.msk $0xffff, v38  }
0x41: {  	v38 =	vor.u32 v3, v32;
	v21 =	vbroadcast v21, $0x0;
	v20 =	vshll.u32 v28, v1;
	v26 =	vld [tilespmem:s28+$0xFFFFFFA0];
	[tilespmem:v22+s24+$0x0] =	vst.idx.msk $0xffff, v27  }
0x42: {  	v18 =	vshrl.u32 v18, $0x3;
	v40 =	vor.u32 v5, v37;
	v20 =	vbroadcast v20, $0x0;
	v39 =	vld [tilespmem:s28+$0xFFFFFFC0];
	[tilespmem:v23+s24+$0x0] =	vst.idx.msk $0xffff, v29  }
0x43: {  	v19 =	vshrl.u32 v19, $0x3;
	v18 =	vshll.u32 v18, v1;
	v42 =	vor.u32 v7, v21;
	v41 =	vld [tilespmem:s28+$0xFFFFFFE0];
	[tilespmem:v33+s24+$0x0] =	vst.idx.msk $0xffff, v31  }
0x44: {  	v22 =	vbroadcast v18, $0x0;
	v18 =	vshll.u32 v19, v1;
	v44 =	vor.u32 v9, v20;
	v43 =	vld [tilespmem:s28+$0x0];
	[tilespmem:v34+s24+$0x0] =	vst.idx.msk $0xffff, v30  }
.Ltmp0:
0x45: {  	s2 =	sadd.s32 $0x1, s22;
	v25 =	vor.u32 v16, v25;
	v19 =	vmov s22;
	v23 =	vbroadcast v18, $0x0;
	[tilespmem:v36+s24+$0x0] =	vst.idx.msk $0xffff, v35;
	v24 =	vld [tilespmem:s28+$0x70];
	(pc) =	sbr.rel @p1 .LBB2_3-.Ltmp0, $4  }
0x46: {  	s6 =	sadd.s32 $0x3, s22;
	v19 =	vshrl.u32 v19, $0x3;
	v27 =	vor.u32 v11, v22;
	v36 =	vmov s2;
	s2 =	sadd.s32 $0x2, s22;
	[tilespmem:v38+s24+$0x0] =	vst.idx.msk $0xffff, v26;
	v26 =	vld [tilespmem:s28+$0x20]  }
0x47: {  	v28 =	vmov s6;
	s6 =	sadd.s32 $0x5, s22;
	v30 =	vor.u32 v13, v23;
	v38 =	vmov s2;
	s2 =	sadd.s32 $0x4, s22;
	[tilespmem:v40+s24+$0x0] =	vst.idx.msk $0xffff, v39;
	v29 =	vld [tilespmem:s28+$0x40]  }
0x48: {  	v18 =	vmov s6;
	v35 =	vor.u32 v4, v32;
	v31 =	vmov s2;
	s2 =	sadd.s32 $0x6, s22;
	v33 =	vld [tilespmem:s28+$0xFFFFFFB0];
	[tilespmem:v42+s24+$0x0] =	vst.idx.msk $0xffff, v41  }
0x49: {  	v37 =	vor.u32 v6, v37;
	v32 =	vshll.u32 v19, v1;
	v19 =	vmov s2;
	s2 =	sadd.s32 $0x7, s22;
	s22 =	sadd.s32 $0x8, s22;
	v34 =	vld [tilespmem:s28+$0xFFFFFFD0];
	[tilespmem:v44+s24+$0x0] =	vst.idx.msk $0xffff, v43  }
0x4a: {  	_ =	sdelay $0x2  }
0x4b: {  	v36 =	vshrl.u32 v36, $0x3  }
0x4c: {  	v39 =	vmov s2;
	v40 =	vld [tilespmem:s28+$0xFFFFFFF0];
	v21 =	vor.u32 v8, v21;
	[tilespmem:v25+s24+$0x0] =	vst.idx.msk $0xffff, v24;
	v24 =	vshrl.u32 v38, $0x3  }
0x4d: {  	v49 =	vld [tilespmem:s28+$0x10];
	v20 =	vor.u32 v10, v20;
	v22 =	vor.u32 v12, v22;
	v25 =	vshrl.u32 v39, $0x3;
	[tilespmem:v27+s24+$0x0] =	vst.idx.msk $0xffff, v26  }
0x4e: {  	v50 =	vld [tilespmem:s28+$0xFFFFFF90];
	v17 =	vor.u32 v2, v17;
	v26 =	vshrl.u32 v28, $0x3;
	v25 =	vshll.u32 v25, v1;
	[tilespmem:v30+s24+$0x0] =	vst.idx.msk $0xffff, v29  }
0x4f: {  	v28 =	vshrl.u32 v31, $0x3;
	v31 =	vshll.u32 v36, v1;
	v27 =	vld [tilespmem:s28+$0x30];
	v25 =	vbroadcast v25, $0x0;
	[tilespmem:v35+s24+$0x0] =	vst.idx.msk $0xffff, v33  }
0x50: {  	v23 =	vor.u32 v14, v23;
	s6 =	sadd.s32 $0x100, s28;
	v18 =	vshrl.u32 v18, $0x3;
	v31 =	vbroadcast v31, $0x0;
	v29 =	vld [tilespmem:s28+$0x50];
	[tilespmem:v37+s24+$0x0] =	vst.idx.msk $0xffff, v34  }
0x51: {  	v51 =	vld [tilespmem:s6+$0x60];
	v30 =	vbroadcast v32, $0x0;
	v28 =	vshll.u32 v28, v1;
	v52 =	vor.u32 v15, v25;
	[tilespmem:v21+s24+$0x0] =	vst.idx.msk $0xffff, v40  }
0x52: {  	v24 =	vshll.u32 v24, v1;
	v28 =	vbroadcast v28, $0x0;
	v54 =	vor.u32 v3, v31;
	[tilespmem:v20+s24+$0x0] =	vst.idx.msk $0xffff, v49;
	v20 =	vld [tilespmem:s6+$0xFFFFFFA0]  }
0x53: {  	v24 =	vbroadcast v24, $0x0;
	v26 =	vshll.u32 v26, v1;
	v53 =	vor.u32 v0, v30;
	v21 =	vld [tilespmem:s6+$0xFFFFFF80];
	[tilespmem:v17+s24+$0x0] =	vst.idx.msk $0xffff, v50  }
0x54: {  	v18 =	vshll.u32 v18, v1;
	v26 =	vbroadcast v26, $0x0;
	v17 =	vld [tilespmem:s6+$0x0];
	v55 =	vor.u32 v9, v28;
	[tilespmem:v22+s24+$0x0] =	vst.idx.msk $0xffff, v27  }
0x55: {  	v18 =	vbroadcast v18, $0x0;
	v22 =	vld [tilespmem:s6+$0xFFFFFFC0];
	v27 =	vor.u32 v5, v24;
	[tilespmem:v23+s24+$0x0] =	vst.idx.msk $0xffff, v29  }
0x56: {  	v19 =	vshrl.u32 v19, $0x3;
	v23 =	vld [tilespmem:s6+$0xFFFFFFE0];
	v29 =	vor.u32 v7, v26;
	[tilespmem:v52+s24+$0x0] =	vst.idx.msk $0xffff, v51  }
0x57: {  	v19 =	vshll.u32 v19, v1;
	v56 =	vor.u32 v11, v18;
	[tilespmem:v54+s24+$0x0] =	vst.idx.msk $0xffff, v20;
	v20 =	vld [tilespmem:s6+$0x20]  }
0x58: {  	v19 =	vbroadcast v19, $0x0;
	v25 =	vor.u32 v16, v25;
	[tilespmem:v53+s24+$0x0] =	vst.idx.msk $0xffff, v21;
	v21 =	vld [tilespmem:s6+$0x70]  }
0x59: {  	v31 =	vor.u32 v4, v31;
	[tilespmem:v55+s24+$0x0] =	vst.idx.msk $0xffff, v17;
	v57 =	vld [tilespmem:s6+$0xFFFFFFB0]  }
0x5a: {  	[tilespmem:v27+s24+$0x0] =	vst.idx.msk $0xffff, v22;
	v22 =	vld [tilespmem:s6+$0x40];
	v27 =	vor.u32 v13, v19  }
0x5b: {  	v24 =	vor.u32 v6, v24;
	[tilespmem:v29+s24+$0x0] =	vst.idx.msk $0xffff, v23;
	v23 =	vld [tilespmem:s6+$0xFFFFFFD0]  }
0x5c: {  	v26 =	vor.u32 v8, v26;
	v17 =	vld [tilespmem:s6+$0xFFFFFFF0];
	[tilespmem:v56+s24+$0x0] =	vst.idx.msk $0xffff, v20  }
0x5d: {  	[tilespmem:v25+s24+$0x0] =	vst.idx.msk $0xffff, v21;
	v21 =	vld [tilespmem:s6+$0x10];
	v25 =	vor.u32 v10, v28  }
0x5e: {  	v18 =	vor.u32 v12, v18;
	v20 =	vld [tilespmem:s6+$0x30];
	[tilespmem:v31+s24+$0x0] =	vst.idx.msk $0xffff, v57  }
0x5f: {  	v28 =	vor.u32 v2, v30;
	[tilespmem:v27+s24+$0x0] =	vst.idx.msk $0xffff, v22;
	v27 =	vld [tilespmem:s6+$0xFFFFFF90]  }
0x60: {  	v19 =	vor.u32 v14, v19;
	v22 =	vld [tilespmem:s6+$0x50];
	[tilespmem:v24+s24+$0x0] =	vst.idx.msk $0xffff, v23  }
0x61: {  	[tilespmem:v26+s24+$0x0] =	vst.idx.msk $0xffff, v17  }
0x62: {  	[tilespmem:v25+s24+$0x0] =	vst.idx.msk $0xffff, v21  }
0x63: {  	p1 =	seq.s32 s26, $0x31;
	[tilespmem:v18+s24+$0x0] =	vst.idx.msk $0xffff, v20  }
0x64: {  	s5 =	sshrl.u32 @!p1 s5, $0x2;
	[tilespmem:v28+s24+$0x0] =	vst.idx.msk $0xffff, v27  }
0x65: {  	s22 =	simm.s32 @!p1 $0x6400;
	s2 =	sadd.s32 @!p1 $0x200, s5;
	s6 =	simm.s32 @!p1 $0x80;
	[tilespmem:v19+s24+$0x0] =	vst.idx.msk $0xffff, v22  }
0x66: {  	[tilespmem:s22], [sflag:$0x1] =	stream.indirect.gather @!p1 [hbm4b:s4+s6], $0x20, s2, s6, $0xb8;
	[tilespmem:$0xE400] =	vst v63  }
0x67: {  	s7 =	sshll.u32 s26, $0x10;
	s22 =	rddreg [dreg:$0x4]  }
0x68: {  	s6 =	rddreg [dreg:$0x1];
	s28 =	sor.u32 s22, s7  }
0x69: {  	s7 =	rddreg [dreg:$0x5];
	s2 =	sadd.s32 s6, s28  }
0x6a: {  	[hbm4b:s2+s3] =	stream.linear.scatter [tilespmem:s24], [sflag:$0x5], $0x400, $0x38;
	[tilespmem:$0xE400] =	vst v63  }
0x6b: {  	s22 =	simm.s32 $0xA800;
	s2 =	sadd.s32 s28, s7  }
0x6c: {  	[hbm4b:s2+s3] =	stream.linear.scatter [tilespmem:s22], [sflag:$0x5], $0x400, $0x38;
	[tilespmem:$0xE400] =	vst v63  }
0x6d: {  	s7 =	sadd.s32 s28, s8;
	s22 =	simm.s32 $0xAC00  }
0x6e: {  	[hbm4b:s7+s3] =	stream.linear.scatter [tilespmem:s22], [sflag:$0x5], $0x400, $0x38;
	[tilespmem:$0xE400] =	vst v63  }
0x6f: {  	s7 =	sadd.s32 s28, s9;
	s22 =	simm.s32 $0xB000  }
0x70: {  	[hbm4b:s7+s3] =	stream.linear.scatter [tilespmem:s22], [sflag:$0x5], $0x400, $0x38;
	[tilespmem:$0xE400] =	vst v63  }
0x71: {  	_ =	swait.ge [sflag:s30], $0x1000  }
0x72: {  	[sflag:s30] =	ssyncset.done $0x0  }
0x73: {  	s2 =	simm.s32 @!p0 $0x6;
	[sflag:s30] =	ssyncadd.s32 $0xFFFFF000  }
0x74: {  	_ =	swait.ge @!p0 [sflag:s2], $0x400  }
0x75: {  	[sflag:s2] =	ssyncset.done @!p0 $0x0  }
0x76: {  	[sflag:s2] =	ssyncadd.s32 @!p0 $0xFFFFFC00  }
0x77: {  	s6 =	simm.s32 $0x1;
	_ =	swait.ge @!p0 [sflag:s2], $0x400  }
0x78: {  	v18 =	vmov s6;
	s7 =	simm.s32 $0x0;
	[sflag:s2] =	ssyncset.done @!p0 $0x0  }
0x79: {  	v18 =	vshrl.u32 v18, $0x3;
	v17 =	vmov s7;
	s7 =	simm.s32 $0x3;
	[sflag:s2] =	ssyncadd.s32 @!p0 $0xFFFFFC00  }
0x7a: {  	v18 =	vshll.u32 v18, v1;
	v20 =	vmov s7;
	s7 =	simm.s32 $0x7;
	_ =	swait.ge @!p0 [sflag:s2], $0x400  }
0x7b: {  	v30 =	vbroadcast v18, $0x0;
	s22 =	simm.s32 $0x2;
	v22 =	vmov s7;
	[sflag:s2] =	ssyncset.done @!p0 $0x0  }
0x7c: {  	v19 =	vmov s22;
	s22 =	simm.s32 $0x4;
	v17 =	vshrl.u32 v17, $0x3;
	v22 =	vshrl.u32 v22, $0x3;
	[sflag:s2] =	ssyncadd.s32 @!p0 $0xFFFFFC00  }
0x7d: {  	v21 =	vmov s22;
	s22 =	simm.s32 $0x5;
	v19 =	vshrl.u32 v19, $0x3;
	v22 =	vshll.u32 v22, v1;
	_ =	swait.ge @!p0 [sflag:s2], $0x400  }
0x7e: {  	v23 =	vmov s22;
	s22 =	simm.s32 $0x6;
	v17 =	vshll.u32 v17, v1;
	v25 =	vbroadcast v22, $0x0;
	[sflag:s2] =	ssyncset.done @!p0 $0x0  }
0x7f: {  	v18 =	vshll.u32 v19, v1;
	v24 =	vmov s22;
	s22 =	simm.s32 $0x7480;
	v17 =	vbroadcast v17, $0x0;
	[sflag:s2] =	ssyncadd.s32 @!p0 $0xFFFFFC00  }
0x80: {  	v20 =	vshrl.u32 v20, $0x3;
	v58 =	vbroadcast v18, $0x0;
	v26 =	vor.u32 v15, v25;
	v19 =	vld [tilespmem:s22+$0x60]  }
0x81: {  	v18 =	vshll.u32 v20, v1;
	v22 =	vshrl.u32 v21, $0x3;
	v28 =	vor.u32 v0, v17;
	v27 =	vld [tilespmem:s22+$0xFFFFFF80]  }
0x82: {  	v31 =	vor.u32 v3, v30;
	v21 =	vbroadcast v18, $0x0;
	v18 =	vshll.u32 v22, v1;
	v29 =	vld [tilespmem:s22+$0xFFFFFFA0]  }
0x83: {  	v60 =	vor.u32 v5, v58;
	v20 =	vbroadcast v18, $0x0;
	v18 =	vshrl.u32 v23, $0x3;
	v59 =	vld [tilespmem:s22+$0xFFFFFFC0]  }
0x84: {  	v62 =	vor.u32 v7, v21;
	v23 =	vshrl.u32 v24, $0x3;
	v18 =	vshll.u32 v18, v1;
	v61 =	vld [tilespmem:s22+$0xFFFFFFE0]  }
0x85: {  	v41 =	vor.u32 v9, v20;
	v22 =	vbroadcast v18, $0x0;
	v18 =	vshll.u32 v23, v1;
	v63 =	vld [tilespmem:s22+$0x0];
	[tilespmem:v26+s31+$0x0] =	vst.idx.msk $0xffff, v19  }
0x86: {  	v35 =	vor.u32 v4, v30;
	s7 =	simm.s32 $0x9;
	v25 =	vor.u32 v16, v25;
	v23 =	vbroadcast v18, $0x0;
	[tilespmem:v28+s31+$0x0] =	vst.idx.msk $0xffff, v27;
	v24 =	vld [tilespmem:s22+$0x70]  }
0x87: {  	s6 =	simm.s32 $0x8;
	v37 =	vmov s7;
	s7 =	simm.s32 $0xB;
	v36 =	vor.u32 v6, v58;
	[tilespmem:v31+s31+$0x0] =	vst.idx.msk $0xffff, v29;
	v26 =	vld [tilespmem:s22+$0x20];
	v27 =	vor.u32 v11, v22  }
0x88: {  	v19 =	vmov s6;
	s6 =	simm.s32 $0xA;
	v28 =	vmov s7;
	s7 =	simm.s32 $0xD;
	[tilespmem:v60+s31+$0x0] =	vst.idx.msk $0xffff, v59;
	v29 =	vld [tilespmem:s22+$0x40];
	v31 =	vor.u32 v13, v23  }
0x89: {  	[tilespmem:v62+s31+$0x0] =	vst.idx.msk $0xffff, v61;
	v19 =	vshrl.u32 v19, $0x3;
	v38 =	vmov s6;
	s6 =	simm.s32 $0xC;
	v18 =	vmov s7;
	s7 =	simm.s32 $0xE;
	v33 =	vld [tilespmem:s22+$0xFFFFFFB0]  }
0x8a: {  	s2 =	simm.s32 $0x10;
	[tilespmem:v41+s31+$0x0] =	vst.idx.msk $0xffff, v63;
	v34 =	vld [tilespmem:s22+$0xFFFFFFD0];
	v32 =	vmov s6;
	v30 =	vshll.u32 v19, v1;
	v19 =	vmov s7;
	s6 =	simm.s32 $0xF  }
.LBB2_5:
0x8b: {  	p2 =	slt.u32 s2, $0x78;
	v37 =	vshrl.u32 v37, $0x3;
	v39 =	vmov s6;
	v40 =	vld [tilespmem:s22+$0xFFFFFFF0];
	v21 =	vor.u32 v8, v21;
	[tilespmem:v25+s31+$0x0] =	vst.idx.msk $0xffff, v24  }
0x8c: {  	v24 =	vshrl.u32 v38, $0x3;
	v20 =	vor.u32 v10, v20;
	v25 =	vshrl.u32 v39, $0x3;
	v38 =	vld [tilespmem:s22+$0x10];
	[tilespmem:v27+s31+$0x0] =	vst.idx.msk $0xffff, v26  }
0x8d: {  	v22 =	vor.u32 v12, v22;
	v26 =	vshrl.u32 v28, $0x3;
	v25 =	vshll.u32 v25, v1;
	v27 =	vld [tilespmem:s22+$0x30];
	[tilespmem:v31+s31+$0x0] =	vst.idx.msk $0xffff, v29  }
0x8e: {  	v23 =	vor.u32 v14, v23;
	v28 =	vshrl.u32 v32, $0x3;
	v25 =	vbroadcast v25, $0x0;
	[tilespmem:v35+s31+$0x0] =	vst.idx.msk $0xffff, v33;
	v29 =	vld [tilespmem:s22+$0x50]  }
0x8f: {  	v31 =	vshll.u32 v37, v1;
	v33 =	vor.u32 v2, v17;
	v17 =	vbroadcast v30, $0x0;
	v32 =	vld [tilespmem:s22+$0xFFFFFF90];
	[tilespmem:v36+s31+$0x0] =	vst.idx.msk $0xffff, v34;
	s22 =	sadd.s32 $0x100, s22  }
0x90: {  	v24 =	vshll.u32 v24, v1;
	v30 =	vbroadcast v31, $0x0;
	v31 =	vld [tilespmem:s22+$0x60];
	v34 =	vor.u32 v15, v25;
	[tilespmem:v21+s31+$0x0] =	vst.idx.msk $0xffff, v40  }
0x91: {  	v39 =	vbroadcast v24, $0x0;
	v36 =	vor.u32 v0, v17;
	v21 =	vshll.u32 v26, v1;
	v35 =	vld [tilespmem:s22+$0xFFFFFF80];
	[tilespmem:v20+s31+$0x0] =	vst.idx.msk $0xffff, v38  }
0x92: {  	v38 =	vor.u32 v3, v30;
	v21 =	vbroadcast v21, $0x0;
	v20 =	vshll.u32 v28, v1;
	v26 =	vld [tilespmem:s22+$0xFFFFFFA0];
	[tilespmem:v22+s31+$0x0] =	vst.idx.msk $0xffff, v27  }
0x93: {  	v18 =	vshrl.u32 v18, $0x3;
	v41 =	vor.u32 v5, v39;
	v20 =	vbroadcast v20, $0x0;
	v40 =	vld [tilespmem:s22+$0xFFFFFFC0];
	[tilespmem:v23+s31+$0x0] =	vst.idx.msk $0xffff, v29  }
0x94: {  	v19 =	vshrl.u32 v19, $0x3;
	v18 =	vshll.u32 v18, v1;
	v43 =	vor.u32 v7, v21;
	v42 =	vld [tilespmem:s22+$0xFFFFFFE0];
	[tilespmem:v33+s31+$0x0] =	vst.idx.msk $0xffff, v32  }
0x95: {  	v22 =	vbroadcast v18, $0x0;
	v18 =	vshll.u32 v19, v1;
	v45 =	vor.u32 v9, v20;
	v44 =	vld [tilespmem:s22+$0x0];
	[tilespmem:v34+s31+$0x0] =	vst.idx.msk $0xffff, v31  }
.Ltmp1:
0x96: {  	s6 =	sadd.s32 $0x1, s2;
	v25 =	vor.u32 v16, v25;
	v19 =	vmov s2;
	v23 =	vbroadcast v18, $0x0;
	[tilespmem:v36+s31+$0x0] =	vst.idx.msk $0xffff, v35;
	v24 =	vld [tilespmem:s22+$0x70];
	(pc) =	sbr.rel @p2 .LBB2_5-.Ltmp1, $4  }
0x97: {  	s7 =	sadd.s32 $0x3, s2;
	v37 =	vmov s6;
	s6 =	sadd.s32 $0x2, s2;
	v19 =	vshrl.u32 v19, $0x3;
	v27 =	vor.u32 v11, v22;
	[tilespmem:v38+s31+$0x0] =	vst.idx.msk $0xffff, v26;
	v26 =	vld [tilespmem:s22+$0x20]  }
0x98: {  	v28 =	vmov s7;
	s7 =	sadd.s32 $0x5, s2;
	v31 =	vor.u32 v13, v23;
	v38 =	vmov s6;
	s6 =	sadd.s32 $0x4, s2;
	[tilespmem:v41+s31+$0x0] =	vst.idx.msk $0xffff, v40;
	v29 =	vld [tilespmem:s22+$0x40]  }
0x99: {  	v18 =	vmov s7;
	v35 =	vor.u32 v4, v30;
	v32 =	vmov s6;
	s6 =	sadd.s32 $0x6, s2;
	v33 =	vld [tilespmem:s22+$0xFFFFFFB0];
	[tilespmem:v43+s31+$0x0] =	vst.idx.msk $0xffff, v42  }
0x9a: {  	v30 =	vshll.u32 v19, v1;
	v36 =	vor.u32 v6, v39;
	v19 =	vmov s6;
	s6 =	sadd.s32 $0x7, s2;
	s2 =	sadd.s32 $0x8, s2;
	v34 =	vld [tilespmem:s22+$0xFFFFFFD0];
	[tilespmem:v45+s31+$0x0] =	vst.idx.msk $0xffff, v44  }
0x9b: {  	_ =	sdelay $0x2  }
0x9c: {  	v37 =	vshrl.u32 v37, $0x3  }
0x9d: {  	v39 =	vmov s6;
	v40 =	vld [tilespmem:s22+$0xFFFFFFF0];
	v21 =	vor.u32 v8, v21;
	[tilespmem:v25+s31+$0x0] =	vst.idx.msk $0xffff, v24;
	v20 =	vor.u32 v10, v20  }
0x9e: {  	v49 =	vld [tilespmem:s22+$0x10];
	v22 =	vor.u32 v12, v22;
	v23 =	vor.u32 v14, v23;
	v25 =	vshrl.u32 v39, $0x3;
	[tilespmem:v27+s31+$0x0] =	vst.idx.msk $0xffff, v26  }
0x9f: {  	v24 =	vshrl.u32 v38, $0x3;
	v50 =	vld [tilespmem:s22+$0xFFFFFF90];
	v17 =	vor.u32 v2, v17;
	v25 =	vshll.u32 v25, v1;
	[tilespmem:v31+s31+$0x0] =	vst.idx.msk $0xffff, v29  }
0xa0: {  	v30 =	vbroadcast v30, $0x0;
	v27 =	vld [tilespmem:s22+$0x30];
	v31 =	vshll.u32 v37, v1;
	v25 =	vbroadcast v25, $0x0;
	[tilespmem:v35+s31+$0x0] =	vst.idx.msk $0xffff, v33  }
0xa1: {  	s2 =	sadd.s32 $0x100, s22;
	v26 =	vshrl.u32 v28, $0x3;
	v28 =	vshrl.u32 v32, $0x3;
	v29 =	vld [tilespmem:s22+$0x50];
	v31 =	vbroadcast v31, $0x0;
	[tilespmem:v36+s31+$0x0] =	vst.idx.msk $0xffff, v34  }
0xa2: {  	v18 =	vshrl.u32 v18, $0x3;
	v51 =	vld [tilespmem:s2+$0x60];
	v28 =	vshll.u32 v28, v1;
	v52 =	vor.u32 v15, v25;
	[tilespmem:v21+s31+$0x0] =	vst.idx.msk $0xffff, v40  }
0xa3: {  	v24 =	vshll.u32 v24, v1;
	v28 =	vbroadcast v28, $0x0;
	[tilespmem:v20+s31+$0x0] =	vst.idx.msk $0xffff, v49;
	v20 =	vld [tilespmem:s2+$0xFFFFFFA0];
	v54 =	vor.u32 v3, v31  }
0xa4: {  	v53 =	vor.u32 v0, v30;
	v24 =	vbroadcast v24, $0x0;
	v26 =	vshll.u32 v26, v1;
	v21 =	vld [tilespmem:s2+$0xFFFFFF80];
	[tilespmem:v17+s31+$0x0] =	vst.idx.msk $0xffff, v50  }
0xa5: {  	v18 =	vshll.u32 v18, v1;
	v26 =	vbroadcast v26, $0x0;
	v17 =	vld [tilespmem:s2+$0x0];
	v55 =	vor.u32 v9, v28;
	[tilespmem:v22+s31+$0x0] =	vst.idx.msk $0xffff, v27  }
0xa6: {  	v18 =	vbroadcast v18, $0x0;
	v22 =	vld [tilespmem:s2+$0xFFFFFFC0];
	v27 =	vor.u32 v5, v24;
	[tilespmem:v23+s31+$0x0] =	vst.idx.msk $0xffff, v29  }
0xa7: {  	v19 =	vshrl.u32 v19, $0x3;
	v23 =	vld [tilespmem:s2+$0xFFFFFFE0];
	v29 =	vor.u32 v7, v26;
	[tilespmem:v52+s31+$0x0] =	vst.idx.msk $0xffff, v51  }
0xa8: {  	v19 =	vshll.u32 v19, v1;
	v56 =	vor.u32 v11, v18;
	[tilespmem:v54+s31+$0x0] =	vst.idx.msk $0xffff, v20;
	v20 =	vld [tilespmem:s2+$0x20]  }
0xa9: {  	v19 =	vbroadcast v19, $0x0;
	v25 =	vor.u32 v16, v25;
	[tilespmem:v53+s31+$0x0] =	vst.idx.msk $0xffff, v21;
	v21 =	vld [tilespmem:s2+$0x70]  }
0xaa: {  	v31 =	vor.u32 v4, v31;
	[tilespmem:v55+s31+$0x0] =	vst.idx.msk $0xffff, v17;
	v57 =	vld [tilespmem:s2+$0xFFFFFFB0]  }
0xab: {  	[tilespmem:v27+s31+$0x0] =	vst.idx.msk $0xffff, v22;
	v22 =	vld [tilespmem:s2+$0x40];
	v27 =	vor.u32 v13, v19  }
0xac: {  	v24 =	vor.u32 v6, v24;
	[tilespmem:v29+s31+$0x0] =	vst.idx.msk $0xffff, v23;
	v23 =	vld [tilespmem:s2+$0xFFFFFFD0]  }
0xad: {  	v26 =	vor.u32 v8, v26;
	v17 =	vld [tilespmem:s2+$0xFFFFFFF0];
	[tilespmem:v56+s31+$0x0] =	vst.idx.msk $0xffff, v20  }
0xae: {  	[tilespmem:v25+s31+$0x0] =	vst.idx.msk $0xffff, v21;
	v21 =	vld [tilespmem:s2+$0x10];
	v25 =	vor.u32 v10, v28  }
0xaf: {  	v18 =	vor.u32 v12, v18;
	v20 =	vld [tilespmem:s2+$0x30];
	[tilespmem:v31+s31+$0x0] =	vst.idx.msk $0xffff, v57  }
0xb0: {  	v28 =	vor.u32 v2, v30;
	[tilespmem:v27+s31+$0x0] =	vst.idx.msk $0xffff, v22;
	v27 =	vld [tilespmem:s2+$0xFFFFFF90]  }
0xb1: {  	v19 =	vor.u32 v14, v19;
	v22 =	vld [tilespmem:s2+$0x50];
	[tilespmem:v24+s31+$0x0] =	vst.idx.msk $0xffff, v23  }
0xb2: {  	[tilespmem:v26+s31+$0x0] =	vst.idx.msk $0xffff, v17  }
0xb3: {  	[tilespmem:v25+s31+$0x0] =	vst.idx.msk $0xffff, v21  }
0xb4: {  	[tilespmem:v18+s31+$0x0] =	vst.idx.msk $0xffff, v20  }
0xb5: {  	[tilespmem:v28+s31+$0x0] =	vst.idx.msk $0xffff, v27  }
0xb6: {  	s6 =	simm.s32 @!p1 $0x80;
	s7 =	simm.s32 @!p1 $0x7400;
	s2 =	sadd.s32 @!p1 $0x280, s5;
	[tilespmem:v19+s31+$0x0] =	vst.idx.msk $0xffff, v22  }
0xb7: {  	[tilespmem:s7], [sflag:$0x2] =	stream.indirect.gather @!p1 [hbm4b:s4+s6], $0x20, s2, s6, $0xb8;
	[tilespmem:$0xE400] =	vst v63  }
0xb8: {  	s6 =	sadd.s32 s28, s10  }
0xb9: {  	[hbm4b:s6+s3] =	stream.linear.scatter [tilespmem:s31], [sflag:$0x6], $0x400, $0x38;
	[tilespmem:$0xE400] =	vst v63  }
0xba: {  	s22 =	simm.s32 $0xB800;
	s7 =	sadd.s32 s28, s11  }
0xbb: {  	[hbm4b:s7+s3] =	stream.linear.scatter [tilespmem:s22], [sflag:$0x6], $0x400, $0x38;
	[tilespmem:$0xE400] =	vst v63  }
0xbc: {  	s7 =	sadd.s32 s28, s12;
	s22 =	simm.s32 $0xBC00  }
0xbd: {  	[hbm4b:s7+s3] =	stream.linear.scatter [tilespmem:s22], [sflag:$0x6], $0x400, $0x38;
	[tilespmem:$0xE400] =	vst v63  }
0xbe: {  	s7 =	sadd.s32 s28, s13;
	s22 =	simm.s32 $0xC000  }
0xbf: {  	[hbm4b:s7+s3] =	stream.linear.scatter [tilespmem:s22], [sflag:$0x6], $0x400, $0x38;
	[tilespmem:$0xE400] =	vst v63  }
0xc0: {  	_ =	swait.ge [sflag:s25], $0x1000  }
0xc1: {  	[sflag:s25] =	ssyncset.done $0x0  }
0xc2: {  	s2 =	simm.s32 @!p0 $0x7;
	[sflag:s25] =	ssyncadd.s32 $0xFFFFF000  }
0xc3: {  	_ =	swait.ge @!p0 [sflag:s2], $0x400  }
0xc4: {  	[sflag:s2] =	ssyncset.done @!p0 $0x0  }
0xc5: {  	[sflag:s2] =	ssyncadd.s32 @!p0 $0xFFFFFC00  }
0xc6: {  	_ =	swait.ge @!p0 [sflag:s2], $0x400  }
0xc7: {  	s6 =	simm.s32 $0x1;
	s7 =	simm.s32 $0x0;
	[sflag:s2] =	ssyncset.done @!p0 $0x0  }
0xc8: {  	v18 =	vmov s6;
	v17 =	vmov s7;
	s7 =	simm.s32 $0x2;
	[sflag:s2] =	ssyncadd.s32 @!p0 $0xFFFFFC00  }
0xc9: {  	v18 =	vshrl.u32 v18, $0x3;
	s22 =	simm.s32 $0x3;
	v19 =	vmov s7;
	s7 =	simm.s32 $0x7;
	_ =	swait.ge @!p0 [sflag:s2], $0x400  }
0xca: {  	v18 =	vshll.u32 v18, v1;
	v20 =	vmov s22;
	s22 =	simm.s32 $0x4;
	v22 =	vmov s7;
	[sflag:s2] =	ssyncset.done @!p0 $0x0  }
0xcb: {  	v30 =	vbroadcast v18, $0x0;
	v21 =	vmov s22;
	s22 =	simm.s32 $0x5;
	v22 =	vshrl.u32 v22, $0x3;
	[sflag:s2] =	ssyncadd.s32 @!p0 $0xFFFFFC00  }
0xcc: {  	v17 =	vshrl.u32 v17, $0x3;
	v23 =	vmov s22;
	v22 =	vshll.u32 v22, v1;
	_ =	swait.ge @!p0 [sflag:s2], $0x400  }
0xcd: {  	s22 =	simm.s32 $0x6;
	v17 =	vshll.u32 v17, v1;
	v19 =	vshrl.u32 v19, $0x3;
	v25 =	vbroadcast v22, $0x0;
	[sflag:s2] =	ssyncset.done @!p0 $0x0  }
0xce: {  	v24 =	vmov s22;
	s22 =	simm.s32 $0x8480;
	v17 =	vbroadcast v17, $0x0;
	v18 =	vshll.u32 v19, v1;
	[sflag:s2] =	ssyncadd.s32 @!p0 $0xFFFFFC00  }
0xcf: {  	v20 =	vshrl.u32 v20, $0x3;
	v58 =	vbroadcast v18, $0x0;
	v26 =	vor.u32 v15, v25;
	v19 =	vld [tilespmem:s22+$0x60]  }
0xd0: {  	v18 =	vshll.u32 v20, v1;
	v22 =	vshrl.u32 v21, $0x3;
	v28 =	vor.u32 v0, v17;
	v27 =	vld [tilespmem:s22+$0xFFFFFF80]  }
0xd1: {  	v31 =	vor.u32 v3, v30;
	v21 =	vbroadcast v18, $0x0;
	v18 =	vshll.u32 v22, v1;
	v29 =	vld [tilespmem:s22+$0xFFFFFFA0]  }
0xd2: {  	v60 =	vor.u32 v5, v58;
	v20 =	vbroadcast v18, $0x0;
	v18 =	vshrl.u32 v23, $0x3;
	v59 =	vld [tilespmem:s22+$0xFFFFFFC0]  }
0xd3: {  	v62 =	vor.u32 v7, v21;
	v23 =	vshrl.u32 v24, $0x3;
	v18 =	vshll.u32 v18, v1;
	v61 =	vld [tilespmem:s22+$0xFFFFFFE0]  }
0xd4: {  	v41 =	vor.u32 v9, v20;
	v22 =	vbroadcast v18, $0x0;
	v18 =	vshll.u32 v23, v1;
	v63 =	vld [tilespmem:s22+$0x0];
	[tilespmem:v26+s23+$0x0] =	vst.idx.msk $0xffff, v19  }
0xd5: {  	v35 =	vor.u32 v4, v30;
	s7 =	simm.s32 $0x9;
	v25 =	vor.u32 v16, v25;
	v23 =	vbroadcast v18, $0x0;
	[tilespmem:v28+s23+$0x0] =	vst.idx.msk $0xffff, v27;
	v24 =	vld [tilespmem:s22+$0x70]  }
0xd6: {  	s6 =	simm.s32 $0x8;
	v37 =	vmov s7;
	s7 =	simm.s32 $0xB;
	v36 =	vor.u32 v6, v58;
	[tilespmem:v31+s23+$0x0] =	vst.idx.msk $0xffff, v29;
	v26 =	vld [tilespmem:s22+$0x20];
	v27 =	vor.u32 v11, v22  }
0xd7: {  	v19 =	vmov s6;
	s6 =	simm.s32 $0xA;
	v28 =	vmov s7;
	s7 =	simm.s32 $0xD;
	[tilespmem:v60+s23+$0x0] =	vst.idx.msk $0xffff, v59;
	v29 =	vld [tilespmem:s22+$0x40];
	v31 =	vor.u32 v13, v23  }
0xd8: {  	[tilespmem:v62+s23+$0x0] =	vst.idx.msk $0xffff, v61;
	v19 =	vshrl.u32 v19, $0x3;
	v38 =	vmov s6;
	s6 =	simm.s32 $0xC;
	v18 =	vmov s7;
	s7 =	simm.s32 $0xE;
	v33 =	vld [tilespmem:s22+$0xFFFFFFB0]  }
0xd9: {  	s2 =	simm.s32 $0x10;
	[tilespmem:v41+s23+$0x0] =	vst.idx.msk $0xffff, v63;
	v34 =	vld [tilespmem:s22+$0xFFFFFFD0];
	v32 =	vmov s6;
	v30 =	vshll.u32 v19, v1;
	v19 =	vmov s7;
	s6 =	simm.s32 $0xF  }
.LBB2_7:
0xda: {  	p2 =	slt.u32 s2, $0x78;
	v37 =	vshrl.u32 v37, $0x3;
	v39 =	vmov s6;
	v40 =	vld [tilespmem:s22+$0xFFFFFFF0];
	v21 =	vor.u32 v8, v21;
	[tilespmem:v25+s23+$0x0] =	vst.idx.msk $0xffff, v24  }
0xdb: {  	v24 =	vshrl.u32 v38, $0x3;
	v20 =	vor.u32 v10, v20;
	v25 =	vshrl.u32 v39, $0x3;
	v38 =	vld [tilespmem:s22+$0x10];
	[tilespmem:v27+s23+$0x0] =	vst.idx.msk $0xffff, v26  }
0xdc: {  	v22 =	vor.u32 v12, v22;
	v26 =	vshrl.u32 v28, $0x3;
	v25 =	vshll.u32 v25, v1;
	v27 =	vld [tilespmem:s22+$0x30];
	[tilespmem:v31+s23+$0x0] =	vst.idx.msk $0xffff, v29  }
0xdd: {  	v23 =	vor.u32 v14, v23;
	v28 =	vshrl.u32 v32, $0x3;
	v25 =	vbroadcast v25, $0x0;
	[tilespmem:v35+s23+$0x0] =	vst.idx.msk $0xffff, v33;
	v29 =	vld [tilespmem:s22+$0x50]  }
0xde: {  	v31 =	vshll.u32 v37, v1;
	v33 =	vor.u32 v2, v17;
	v17 =	vbroadcast v30, $0x0;
	v32 =	vld [tilespmem:s22+$0xFFFFFF90];
	[tilespmem:v36+s23+$0x0] =	vst.idx.msk $0xffff, v34;
	s22 =	sadd.s32 $0x100, s22  }
0xdf: {  	v24 =	vshll.u32 v24, v1;
	v30 =	vbroadcast v31, $0x0;
	v31 =	vld [tilespmem:s22+$0x60];
	v34 =	vor.u32 v15, v25;
	[tilespmem:v21+s23+$0x0] =	vst.idx.msk $0xffff, v40  }
0xe0: {  	v39 =	vbroadcast v24, $0x0;
	v36 =	vor.u32 v0, v17;
	v21 =	vshll.u32 v26, v1;
	v35 =	vld [tilespmem:s22+$0xFFFFFF80];
	[tilespmem:v20+s23+$0x0] =	vst.idx.msk $0xffff, v38  }
0xe1: {  	v38 =	vor.u32 v3, v30;
	v21 =	vbroadcast v21, $0x0;
	v20 =	vshll.u32 v28, v1;
	v26 =	vld [tilespmem:s22+$0xFFFFFFA0];
	[tilespmem:v22+s23+$0x0] =	vst.idx.msk $0xffff, v27  }
0xe2: {  	v18 =	vshrl.u32 v18, $0x3;
	v41 =	vor.u32 v5, v39;
	v20 =	vbroadcast v20, $0x0;
	v40 =	vld [tilespmem:s22+$0xFFFFFFC0];
	[tilespmem:v23+s23+$0x0] =	vst.idx.msk $0xffff, v29  }
0xe3: {  	v19 =	vshrl.u32 v19, $0x3;
	v18 =	vshll.u32 v18, v1;
	v43 =	vor.u32 v7, v21;
	v42 =	vld [tilespmem:s22+$0xFFFFFFE0];
	[tilespmem:v33+s23+$0x0] =	vst.idx.msk $0xffff, v32  }
0xe4: {  	v22 =	vbroadcast v18, $0x0;
	v18 =	vshll.u32 v19, v1;
	v45 =	vor.u32 v9, v20;
	v44 =	vld [tilespmem:s22+$0x0];
	[tilespmem:v34+s23+$0x0] =	vst.idx.msk $0xffff, v31  }
.Ltmp2:
0xe5: {  	s6 =	sadd.s32 $0x1, s2;
	v25 =	vor.u32 v16, v25;
	v19 =	vmov s2;
	v23 =	vbroadcast v18, $0x0;
	[tilespmem:v36+s23+$0x0] =	vst.idx.msk $0xffff, v35;
	v24 =	vld [tilespmem:s22+$0x70];
	(pc) =	sbr.rel @p2 .LBB2_7-.Ltmp2, $4  }
0xe6: {  	s7 =	sadd.s32 $0x3, s2;
	v37 =	vmov s6;
	s6 =	sadd.s32 $0x2, s2;
	v19 =	vshrl.u32 v19, $0x3;
	v27 =	vor.u32 v11, v22;
	[tilespmem:v38+s23+$0x0] =	vst.idx.msk $0xffff, v26;
	v26 =	vld [tilespmem:s22+$0x20]  }
0xe7: {  	v28 =	vmov s7;
	s7 =	sadd.s32 $0x5, s2;
	v31 =	vor.u32 v13, v23;
	v38 =	vmov s6;
	s6 =	sadd.s32 $0x4, s2;
	[tilespmem:v41+s23+$0x0] =	vst.idx.msk $0xffff, v40;
	v29 =	vld [tilespmem:s22+$0x40]  }
0xe8: {  	v18 =	vmov s7;
	v35 =	vor.u32 v4, v30;
	v32 =	vmov s6;
	s6 =	sadd.s32 $0x6, s2;
	v33 =	vld [tilespmem:s22+$0xFFFFFFB0];
	[tilespmem:v43+s23+$0x0] =	vst.idx.msk $0xffff, v42  }
0xe9: {  	v30 =	vshll.u32 v19, v1;
	v36 =	vor.u32 v6, v39;
	v19 =	vmov s6;
	s6 =	sadd.s32 $0x7, s2;
	s2 =	sadd.s32 $0x8, s2;
	v34 =	vld [tilespmem:s22+$0xFFFFFFD0];
	[tilespmem:v45+s23+$0x0] =	vst.idx.msk $0xffff, v44  }
0xea: {  	_ =	sdelay $0x2  }
0xeb: {  	v37 =	vshrl.u32 v37, $0x3  }
0xec: {  	v39 =	vmov s6;
	v40 =	vld [tilespmem:s22+$0xFFFFFFF0];
	v21 =	vor.u32 v8, v21;
	[tilespmem:v25+s23+$0x0] =	vst.idx.msk $0xffff, v24;
	v20 =	vor.u32 v10, v20  }
0xed: {  	v49 =	vld [tilespmem:s22+$0x10];
	v22 =	vor.u32 v12, v22;
	v23 =	vor.u32 v14, v23;
	v25 =	vshrl.u32 v39, $0x3;
	[tilespmem:v27+s23+$0x0] =	vst.idx.msk $0xffff, v26  }
0xee: {  	v24 =	vshrl.u32 v38, $0x3;
	v50 =	vld [tilespmem:s22+$0xFFFFFF90];
	v17 =	vor.u32 v2, v17;
	v25 =	vshll.u32 v25, v1;
	[tilespmem:v31+s23+$0x0] =	vst.idx.msk $0xffff, v29  }
0xef: {  	v30 =	vbroadcast v30, $0x0;
	v27 =	vld [tilespmem:s22+$0x30];
	v31 =	vshll.u32 v37, v1;
	v25 =	vbroadcast v25, $0x0;
	[tilespmem:v35+s23+$0x0] =	vst.idx.msk $0xffff, v33  }
0xf0: {  	s2 =	sadd.s32 $0x100, s22;
	v26 =	vshrl.u32 v28, $0x3;
	v28 =	vshrl.u32 v32, $0x3;
	v29 =	vld [tilespmem:s22+$0x50];
	v31 =	vbroadcast v31, $0x0;
	[tilespmem:v36+s23+$0x0] =	vst.idx.msk $0xffff, v34  }
0xf1: {  	v18 =	vshrl.u32 v18, $0x3;
	v51 =	vld [tilespmem:s2+$0x60];
	v28 =	vshll.u32 v28, v1;
	v52 =	vor.u32 v15, v25;
	[tilespmem:v21+s23+$0x0] =	vst.idx.msk $0xffff, v40  }
0xf2: {  	v24 =	vshll.u32 v24, v1;
	v28 =	vbroadcast v28, $0x0;
	[tilespmem:v20+s23+$0x0] =	vst.idx.msk $0xffff, v49;
	v20 =	vld [tilespmem:s2+$0xFFFFFFA0];
	v54 =	vor.u32 v3, v31  }
0xf3: {  	v53 =	vor.u32 v0, v30;
	v24 =	vbroadcast v24, $0x0;
	v26 =	vshll.u32 v26, v1;
	v21 =	vld [tilespmem:s2+$0xFFFFFF80];
	[tilespmem:v17+s23+$0x0] =	vst.idx.msk $0xffff, v50  }
0xf4: {  	v18 =	vshll.u32 v18, v1;
	v26 =	vbroadcast v26, $0x0;
	v17 =	vld [tilespmem:s2+$0x0];
	v55 =	vor.u32 v9, v28;
	[tilespmem:v22+s23+$0x0] =	vst.idx.msk $0xffff, v27  }
0xf5: {  	v18 =	vbroadcast v18, $0x0;
	v22 =	vld [tilespmem:s2+$0xFFFFFFC0];
	v27 =	vor.u32 v5, v24;
	[tilespmem:v23+s23+$0x0] =	vst.idx.msk $0xffff, v29  }
0xf6: {  	v19 =	vshrl.u32 v19, $0x3;
	v23 =	vld [tilespmem:s2+$0xFFFFFFE0];
	v29 =	vor.u32 v7, v26;
	[tilespmem:v52+s23+$0x0] =	vst.idx.msk $0xffff, v51  }
0xf7: {  	v19 =	vshll.u32 v19, v1;
	v56 =	vor.u32 v11, v18;
	[tilespmem:v54+s23+$0x0] =	vst.idx.msk $0xffff, v20;
	v20 =	vld [tilespmem:s2+$0x20]  }
0xf8: {  	v19 =	vbroadcast v19, $0x0;
	v25 =	vor.u32 v16, v25;
	[tilespmem:v53+s23+$0x0] =	vst.idx.msk $0xffff, v21;
	v21 =	vld [tilespmem:s2+$0x70]  }
0xf9: {  	v31 =	vor.u32 v4, v31;
	[tilespmem:v55+s23+$0x0] =	vst.idx.msk $0xffff, v17;
	v57 =	vld [tilespmem:s2+$0xFFFFFFB0]  }
0xfa: {  	[tilespmem:v27+s23+$0x0] =	vst.idx.msk $0xffff, v22;
	v22 =	vld [tilespmem:s2+$0x40];
	v27 =	vor.u32 v13, v19  }
0xfb: {  	v24 =	vor.u32 v6, v24;
	[tilespmem:v29+s23+$0x0] =	vst.idx.msk $0xffff, v23;
	v23 =	vld [tilespmem:s2+$0xFFFFFFD0]  }
0xfc: {  	v26 =	vor.u32 v8, v26;
	v17 =	vld [tilespmem:s2+$0xFFFFFFF0];
	[tilespmem:v56+s23+$0x0] =	vst.idx.msk $0xffff, v20  }
0xfd: {  	[tilespmem:v25+s23+$0x0] =	vst.idx.msk $0xffff, v21;
	v21 =	vld [tilespmem:s2+$0x10];
	v25 =	vor.u32 v10, v28  }
0xfe: {  	v18 =	vor.u32 v12, v18;
	v20 =	vld [tilespmem:s2+$0x30];
	[tilespmem:v31+s23+$0x0] =	vst.idx.msk $0xffff, v57  }
0xff: {  	v28 =	vor.u32 v2, v30;
	[tilespmem:v27+s23+$0x0] =	vst.idx.msk $0xffff, v22;
	v27 =	vld [tilespmem:s2+$0xFFFFFF90]  }
0x100: {  	v19 =	vor.u32 v14, v19;
	v22 =	vld [tilespmem:s2+$0x50];
	[tilespmem:v24+s23+$0x0] =	vst.idx.msk $0xffff, v23  }
0x101: {  	[tilespmem:v26+s23+$0x0] =	vst.idx.msk $0xffff, v17  }
0x102: {  	[tilespmem:v25+s23+$0x0] =	vst.idx.msk $0xffff, v21  }
0x103: {  	[tilespmem:v18+s23+$0x0] =	vst.idx.msk $0xffff, v20  }
0x104: {  	[tilespmem:v28+s23+$0x0] =	vst.idx.msk $0xffff, v27  }
0x105: {  	s6 =	simm.s32 @!p1 $0x80;
	s7 =	simm.s32 @!p1 $0x8400;
	s2 =	sadd.s32 @!p1 $0x300, s5;
	[tilespmem:v19+s23+$0x0] =	vst.idx.msk $0xffff, v22  }
0x106: {  	[tilespmem:s7], [sflag:$0x3] =	stream.indirect.gather @!p1 [hbm4b:s4+s6], $0x20, s2, s6, $0xb8;
	[tilespmem:$0xE400] =	vst v63  }
0x107: {  	s6 =	sadd.s32 s28, s14  }
0x108: {  	[hbm4b:s6+s3] =	stream.linear.scatter [tilespmem:s23], [sflag:$0x7], $0x400, $0x38;
	[tilespmem:$0xE400] =	vst v63  }
0x109: {  	s22 =	simm.s32 $0xC800;
	s7 =	sadd.s32 s28, s15  }
0x10a: {  	[hbm4b:s7+s3] =	stream.linear.scatter [tilespmem:s22], [sflag:$0x7], $0x400, $0x38;
	[tilespmem:$0xE400] =	vst v63  }
0x10b: {  	s7 =	sadd.s32 s28, s16;
	s22 =	simm.s32 $0xCC00  }
0x10c: {  	[hbm4b:s7+s3] =	stream.linear.scatter [tilespmem:s22], [sflag:$0x7], $0x400, $0x38;
	[tilespmem:$0xE400] =	vst v63  }
0x10d: {  	s7 =	sadd.s32 s28, s17;
	s22 =	simm.s32 $0xD000  }
0x10e: {  	[hbm4b:s7+s3] =	stream.linear.scatter [tilespmem:s22], [sflag:$0x7], $0x400, $0x38;
	[tilespmem:$0xE400] =	vst v63  }
0x10f: {  	_ =	swait.ge [sflag:s29], $0x1000  }
0x110: {  	[sflag:s29] =	ssyncset.done $0x0  }
0x111: {  	s2 =	simm.s32 @!p0 $0x8;
	[sflag:s29] =	ssyncadd.s32 $0xFFFFF000  }
0x112: {  	_ =	swait.ge @!p0 [sflag:s2], $0x400  }
0x113: {  	[sflag:s2] =	ssyncset.done @!p0 $0x0  }
0x114: {  	[sflag:s2] =	ssyncadd.s32 @!p0 $0xFFFFFC00  }
0x115: {  	_ =	swait.ge @!p0 [sflag:s2], $0x400  }
0x116: {  	s6 =	simm.s32 $0x1;
	s7 =	simm.s32 $0x0;
	[sflag:s2] =	ssyncset.done @!p0 $0x0  }
0x117: {  	v18 =	vmov s6;
	v17 =	vmov s7;
	s7 =	simm.s32 $0x2;
	[sflag:s2] =	ssyncadd.s32 @!p0 $0xFFFFFC00  }
0x118: {  	v18 =	vshrl.u32 v18, $0x3;
	s22 =	simm.s32 $0x3;
	v19 =	vmov s7;
	s7 =	simm.s32 $0x7;
	_ =	swait.ge @!p0 [sflag:s2], $0x400  }
0x119: {  	v18 =	vshll.u32 v18, v1;
	v20 =	vmov s22;
	s22 =	simm.s32 $0x4;
	v22 =	vmov s7;
	[sflag:s2] =	ssyncset.done @!p0 $0x0  }
0x11a: {  	v30 =	vbroadcast v18, $0x0;
	v21 =	vmov s22;
	s22 =	simm.s32 $0x5;
	v22 =	vshrl.u32 v22, $0x3;
	[sflag:s2] =	ssyncadd.s32 @!p0 $0xFFFFFC00  }
0x11b: {  	v17 =	vshrl.u32 v17, $0x3;
	v23 =	vmov s22;
	v22 =	vshll.u32 v22, v1;
	_ =	swait.ge @!p0 [sflag:s2], $0x400  }
0x11c: {  	s22 =	simm.s32 $0x6;
	v17 =	vshll.u32 v17, v1;
	v19 =	vshrl.u32 v19, $0x3;
	v25 =	vbroadcast v22, $0x0;
	[sflag:s2] =	ssyncset.done @!p0 $0x0  }
0x11d: {  	v24 =	vmov s22;
	s22 =	simm.s32 $0x9480;
	v17 =	vbroadcast v17, $0x0;
	v18 =	vshll.u32 v19, v1;
	[sflag:s2] =	ssyncadd.s32 @!p0 $0xFFFFFC00  }
0x11e: {  	v20 =	vshrl.u32 v20, $0x3;
	v58 =	vbroadcast v18, $0x0;
	v26 =	vor.u32 v15, v25;
	v19 =	vld [tilespmem:s22+$0x60]  }
0x11f: {  	v18 =	vshll.u32 v20, v1;
	v22 =	vshrl.u32 v21, $0x3;
	v28 =	vor.u32 v0, v17;
	v27 =	vld [tilespmem:s22+$0xFFFFFF80]  }
0x120: {  	v31 =	vor.u32 v3, v30;
	v21 =	vbroadcast v18, $0x0;
	v18 =	vshll.u32 v22, v1;
	v29 =	vld [tilespmem:s22+$0xFFFFFFA0]  }
0x121: {  	v60 =	vor.u32 v5, v58;
	v20 =	vbroadcast v18, $0x0;
	v18 =	vshrl.u32 v23, $0x3;
	v59 =	vld [tilespmem:s22+$0xFFFFFFC0]  }
0x122: {  	v62 =	vor.u32 v7, v21;
	v23 =	vshrl.u32 v24, $0x3;
	v18 =	vshll.u32 v18, v1;
	v61 =	vld [tilespmem:s22+$0xFFFFFFE0]  }
0x123: {  	v41 =	vor.u32 v9, v20;
	v22 =	vbroadcast v18, $0x0;
	v18 =	vshll.u32 v23, v1;
	v63 =	vld [tilespmem:s22+$0x0];
	[tilespmem:v26+s1+$0x0] =	vst.idx.msk $0xffff, v19  }
0x124: {  	v35 =	vor.u32 v4, v30;
	s7 =	simm.s32 $0x9;
	v25 =	vor.u32 v16, v25;
	v23 =	vbroadcast v18, $0x0;
	[tilespmem:v28+s1+$0x0] =	vst.idx.msk $0xffff, v27;
	v24 =	vld [tilespmem:s22+$0x70]  }
0x125: {  	s6 =	simm.s32 $0x8;
	v37 =	vmov s7;
	s7 =	simm.s32 $0xB;
	v36 =	vor.u32 v6, v58;
	[tilespmem:v31+s1+$0x0] =	vst.idx.msk $0xffff, v29;
	v26 =	vld [tilespmem:s22+$0x20];
	v27 =	vor.u32 v11, v22  }
0x126: {  	v19 =	vmov s6;
	s6 =	simm.s32 $0xA;
	v28 =	vmov s7;
	s7 =	simm.s32 $0xD;
	[tilespmem:v60+s1+$0x0] =	vst.idx.msk $0xffff, v59;
	v29 =	vld [tilespmem:s22+$0x40];
	v31 =	vor.u32 v13, v23  }
0x127: {  	[tilespmem:v62+s1+$0x0] =	vst.idx.msk $0xffff, v61;
	v19 =	vshrl.u32 v19, $0x3;
	v38 =	vmov s6;
	s6 =	simm.s32 $0xC;
	v18 =	vmov s7;
	s7 =	simm.s32 $0xE;
	v33 =	vld [tilespmem:s22+$0xFFFFFFB0]  }
0x128: {  	s2 =	simm.s32 $0x10;
	[tilespmem:v41+s1+$0x0] =	vst.idx.msk $0xffff, v63;
	v34 =	vld [tilespmem:s22+$0xFFFFFFD0];
	v32 =	vmov s6;
	v30 =	vshll.u32 v19, v1;
	v19 =	vmov s7;
	s6 =	simm.s32 $0xF  }
.LBB2_9:
0x129: {  	p0 =	slt.u32 s2, $0x78;
	v37 =	vshrl.u32 v37, $0x3;
	v39 =	vmov s6;
	v40 =	vld [tilespmem:s22+$0xFFFFFFF0];
	v21 =	vor.u32 v8, v21;
	[tilespmem:v25+s1+$0x0] =	vst.idx.msk $0xffff, v24  }
0x12a: {  	v24 =	vshrl.u32 v38, $0x3;
	v20 =	vor.u32 v10, v20;
	v25 =	vshrl.u32 v39, $0x3;
	v38 =	vld [tilespmem:s22+$0x10];
	[tilespmem:v27+s1+$0x0] =	vst.idx.msk $0xffff, v26  }
0x12b: {  	v22 =	vor.u32 v12, v22;
	v26 =	vshrl.u32 v28, $0x3;
	v25 =	vshll.u32 v25, v1;
	v27 =	vld [tilespmem:s22+$0x30];
	[tilespmem:v31+s1+$0x0] =	vst.idx.msk $0xffff, v29  }
0x12c: {  	v23 =	vor.u32 v14, v23;
	v28 =	vshrl.u32 v32, $0x3;
	v25 =	vbroadcast v25, $0x0;
	[tilespmem:v35+s1+$0x0] =	vst.idx.msk $0xffff, v33;
	v29 =	vld [tilespmem:s22+$0x50]  }
0x12d: {  	v31 =	vshll.u32 v37, v1;
	v33 =	vor.u32 v2, v17;
	v17 =	vbroadcast v30, $0x0;
	v32 =	vld [tilespmem:s22+$0xFFFFFF90];
	[tilespmem:v36+s1+$0x0] =	vst.idx.msk $0xffff, v34;
	s22 =	sadd.s32 $0x100, s22  }
0x12e: {  	v24 =	vshll.u32 v24, v1;
	v30 =	vbroadcast v31, $0x0;
	v31 =	vld [tilespmem:s22+$0x60];
	v34 =	vor.u32 v15, v25;
	[tilespmem:v21+s1+$0x0] =	vst.idx.msk $0xffff, v40  }
0x12f: {  	v39 =	vbroadcast v24, $0x0;
	v36 =	vor.u32 v0, v17;
	v21 =	vshll.u32 v26, v1;
	v35 =	vld [tilespmem:s22+$0xFFFFFF80];
	[tilespmem:v20+s1+$0x0] =	vst.idx.msk $0xffff, v38  }
0x130: {  	v38 =	vor.u32 v3, v30;
	v21 =	vbroadcast v21, $0x0;
	v20 =	vshll.u32 v28, v1;
	v26 =	vld [tilespmem:s22+$0xFFFFFFA0];
	[tilespmem:v22+s1+$0x0] =	vst.idx.msk $0xffff, v27  }
0x131: {  	v18 =	vshrl.u32 v18, $0x3;
	v41 =	vor.u32 v5, v39;
	v20 =	vbroadcast v20, $0x0;
	v40 =	vld [tilespmem:s22+$0xFFFFFFC0];
	[tilespmem:v23+s1+$0x0] =	vst.idx.msk $0xffff, v29  }
0x132: {  	v19 =	vshrl.u32 v19, $0x3;
	v18 =	vshll.u32 v18, v1;
	v43 =	vor.u32 v7, v21;
	v42 =	vld [tilespmem:s22+$0xFFFFFFE0];
	[tilespmem:v33+s1+$0x0] =	vst.idx.msk $0xffff, v32  }
0x133: {  	v22 =	vbroadcast v18, $0x0;
	v18 =	vshll.u32 v19, v1;
	v45 =	vor.u32 v9, v20;
	v44 =	vld [tilespmem:s22+$0x0];
	[tilespmem:v34+s1+$0x0] =	vst.idx.msk $0xffff, v31  }
.Ltmp3:
0x134: {  	s6 =	sadd.s32 $0x1, s2;
	v25 =	vor.u32 v16, v25;
	v19 =	vmov s2;
	v23 =	vbroadcast v18, $0x0;
	[tilespmem:v36+s1+$0x0] =	vst.idx.msk $0xffff, v35;
	v24 =	vld [tilespmem:s22+$0x70];
	(pc) =	sbr.rel @p0 .LBB2_9-.Ltmp3, $4  }
0x135: {  	s7 =	sadd.s32 $0x3, s2;
	v37 =	vmov s6;
	s6 =	sadd.s32 $0x2, s2;
	v19 =	vshrl.u32 v19, $0x3;
	v27 =	vor.u32 v11, v22;
	[tilespmem:v38+s1+$0x0] =	vst.idx.msk $0xffff, v26;
	v26 =	vld [tilespmem:s22+$0x20]  }
0x136: {  	v28 =	vmov s7;
	s7 =	sadd.s32 $0x5, s2;
	v31 =	vor.u32 v13, v23;
	v38 =	vmov s6;
	s6 =	sadd.s32 $0x4, s2;
	[tilespmem:v41+s1+$0x0] =	vst.idx.msk $0xffff, v40;
	v29 =	vld [tilespmem:s22+$0x40]  }
0x137: {  	v18 =	vmov s7;
	v35 =	vor.u32 v4, v30;
	v32 =	vmov s6;
	s6 =	sadd.s32 $0x6, s2;
	v33 =	vld [tilespmem:s22+$0xFFFFFFB0];
	[tilespmem:v43+s1+$0x0] =	vst.idx.msk $0xffff, v42  }
0x138: {  	v30 =	vshll.u32 v19, v1;
	v36 =	vor.u32 v6, v39;
	v19 =	vmov s6;
	s6 =	sadd.s32 $0x7, s2;
	s2 =	sadd.s32 $0x8, s2;
	v34 =	vld [tilespmem:s22+$0xFFFFFFD0];
	[tilespmem:v45+s1+$0x0] =	vst.idx.msk $0xffff, v44  }
0x139: {  	_ =	sdelay $0x2  }
0x13a: {  	v37 =	vshrl.u32 v37, $0x3;
	v39 =	vmov s6  }
0x13b: {  	v40 =	vld [tilespmem:s22+$0xFFFFFFF0];
	v21 =	vor.u32 v8, v21;
	[tilespmem:v25+s1+$0x0] =	vst.idx.msk $0xffff, v24;
	v59 =	vshrl.u32 v38, $0x3;
	v20 =	vor.u32 v10, v20  }
0x13c: {  	v61 =	vld [tilespmem:s22+$0x10];
	v62 =	vshrl.u32 v28, $0x3;
	v22 =	vor.u32 v12, v22;
	v63 =	vshrl.u32 v32, $0x3;
	[tilespmem:v27+s1+$0x0] =	vst.idx.msk $0xffff, v26  }
0x13d: {  	v23 =	vor.u32 v14, v23;
	v30 =	vbroadcast v30, $0x0;
	v41 =	vld [tilespmem:s22+$0xFFFFFF90];
	v17 =	vor.u32 v2, v17;
	[tilespmem:v31+s1+$0x0] =	vst.idx.msk $0xffff, v29  }
0x13e: {  	s2 =	sadd.s32 $0x100, s22;
	v18 =	vshrl.u32 v18, $0x3;
	v60 =	vshrl.u32 v39, $0x3;
	v39 =	vshll.u32 v37, v1;
	v27 =	vld [tilespmem:s22+$0x30];
	[tilespmem:v35+s1+$0x0] =	vst.idx.msk $0xffff, v33  }
0x13f: {  	v24 =	vshll.u32 v59, v1;
	v44 =	vld [tilespmem:s2+$0xFFFFFF80];
	v31 =	vbroadcast v39, $0x0;
	v45 =	vor.u32 v0, v30;
	[tilespmem:v36+s1+$0x0] =	vst.idx.msk $0xffff, v34  }
0x140: {  	v19 =	vshrl.u32 v19, $0x3;
	v26 =	vshll.u32 v62, v1;
	v24 =	vbroadcast v24, $0x0;
	v29 =	vld [tilespmem:s22+$0x50];
	[tilespmem:v21+s1+$0x0] =	vst.idx.msk $0xffff, v40  }
0x141: {  	v46 =	vld [tilespmem:s2+$0xFFFFFFA0];
	v18 =	vshll.u32 v18, v1;
	v26 =	vbroadcast v26, $0x0;
	v47 =	vor.u32 v3, v31;
	[tilespmem:v20+s1+$0x0] =	vst.idx.msk $0xffff, v61  }
0x142: {  	v48 =	vld [tilespmem:s2+$0xFFFFFFC0];
	v19 =	vshll.u32 v19, v1;
	v18 =	vbroadcast v18, $0x0;
	v49 =	vor.u32 v5, v24;
	[tilespmem:v17+s1+$0x0] =	vst.idx.msk $0xffff, v41  }
0x143: {  	v28 =	vshll.u32 v63, v1;
	v50 =	vld [tilespmem:s2+$0xFFFFFFE0];
	v19 =	vbroadcast v19, $0x0;
	v51 =	vor.u32 v7, v26;
	[tilespmem:v22+s1+$0x0] =	vst.idx.msk $0xffff, v27  }
0x144: {  	v54 =	vld [tilespmem:s2+$0x20];
	v25 =	vshll.u32 v60, v1;
	v28 =	vbroadcast v28, $0x0;
	v55 =	vor.u32 v11, v18;
	[tilespmem:v45+s1+$0x0] =	vst.idx.msk $0xffff, v44  }
0x145: {  	v56 =	vld [tilespmem:s2+$0x40];
	v25 =	vbroadcast v25, $0x0;
	v57 =	vor.u32 v13, v19;
	[tilespmem:v23+s1+$0x0] =	vst.idx.msk $0xffff, v29  }
0x146: {  	v52 =	vor.u32 v9, v28;
	v17 =	vld [tilespmem:s2+$0x0];
	[tilespmem:v47+s1+$0x0] =	vst.idx.msk $0xffff, v46  }
0x147: {  	v42 =	vld [tilespmem:s2+$0x60];
	v43 =	vor.u32 v15, v25;
	[tilespmem:v49+s1+$0x0] =	vst.idx.msk $0xffff, v48  }
0x148: {  	v63 =	vor.u32 v2, v30;
	v62 =	vld [tilespmem:s2+$0xFFFFFF90];
	[tilespmem:v51+s1+$0x0] =	vst.idx.msk $0xffff, v50  }
0x149: {  	v31 =	vor.u32 v4, v31;
	[tilespmem:v55+s1+$0x0] =	vst.idx.msk $0xffff, v54;
	v58 =	vld [tilespmem:s2+$0xFFFFFFB0]  }
0x14a: {  	v24 =	vor.u32 v6, v24;
	[tilespmem:v57+s1+$0x0] =	vst.idx.msk $0xffff, v56;
	v59 =	vld [tilespmem:s2+$0xFFFFFFD0]  }
0x14b: {  	v26 =	vor.u32 v8, v26;
	[tilespmem:v52+s1+$0x0] =	vst.idx.msk $0xffff, v17;
	v17 =	vld [tilespmem:s2+$0xFFFFFFF0]  }
0x14c: {  	v18 =	vor.u32 v12, v18;
	[tilespmem:v43+s1+$0x0] =	vst.idx.msk $0xffff, v42;
	v20 =	vld [tilespmem:s2+$0x30]  }
0x14d: {  	v19 =	vor.u32 v14, v19;
	v22 =	vld [tilespmem:s2+$0x50];
	[tilespmem:v63+s1+$0x0] =	vst.idx.msk $0xffff, v62  }
0x14e: {  	v25 =	vor.u32 v16, v25;
	v53 =	vld [tilespmem:s2+$0x70];
	[tilespmem:v31+s1+$0x0] =	vst.idx.msk $0xffff, v58  }
0x14f: {  	v61 =	vor.u32 v10, v28;
	v60 =	vld [tilespmem:s2+$0x10];
	[tilespmem:v24+s1+$0x0] =	vst.idx.msk $0xffff, v59  }
0x150: {  	[tilespmem:v26+s1+$0x0] =	vst.idx.msk $0xffff, v17  }
0x151: {  	[tilespmem:v18+s1+$0x0] =	vst.idx.msk $0xffff, v20  }
0x152: {  	[tilespmem:v19+s1+$0x0] =	vst.idx.msk $0xffff, v22  }
0x153: {  	[tilespmem:v25+s1+$0x0] =	vst.idx.msk $0xffff, v53  }
0x154: {  	s6 =	simm.s32 @!p1 $0x9400;
	s2 =	sadd.s32 @!p1 $0x380, s5;
	s5 =	simm.s32 @!p1 $0x80;
	[tilespmem:v61+s1+$0x0] =	vst.idx.msk $0xffff, v60  }
0x155: {  	[tilespmem:s6], [sflag:$0x4] =	stream.indirect.gather @!p1 [hbm4b:s4+s5], $0x20, s2, s5, $0xb8;
	[tilespmem:$0xE400] =	vst v63  }
0x156: {  	s26 =	sadd.s32 $0x1, s26;
	s6 =	sadd.s32 s28, s18  }
0x157: {  	[hbm4b:s6+s3] =	stream.linear.scatter [tilespmem:s1], [sflag:$0x8], $0x400, $0x38;
	[tilespmem:$0xE400] =	vst v63  }
0x158: {  	s7 =	sadd.s32 s28, s19;
	p0 =	sne.s32 s26, $0x32;
	s22 =	simm.s32 $0xD800  }
0x159: {  	[hbm4b:s7+s3] =	stream.linear.scatter [tilespmem:s22], [sflag:$0x8], $0x400, $0x38;
	[tilespmem:$0xE400] =	vst v63  }
.Ltmp4:
0x15a: {  	_ = 	snop;
	(pc) =	sbr.rel @p0 .LBB2_2-.Ltmp4, $4  }
0x15b: {  	s6 =	sadd.s32 s28, s20;
	s7 =	simm.s32 $0xDC00  }
0x15c: {  	[hbm4b:s6+s3] =	stream.linear.scatter [tilespmem:s7], [sflag:$0x8], $0x400, $0x38;
	[tilespmem:$0xE400] =	vst v63  }
0x15d: {  	s22 =	sadd.s32 s28, s21;
	s28 =	simm.s32 $0xE000  }
0x15e: {  	[hbm4b:s22+s3] =	stream.linear.scatter [tilespmem:s28], [sflag:$0x8], $0x400, $0x38;
	[tilespmem:$0xE400] =	vst v63  }
0x15f: {  	s2 =	simm.s32 $0x5  }
0x160: {  	_ =	swait.ge [sflag:s2], $0x400  }
0x161: {  	[sflag:s2] =	ssyncset.done $0x0  }
0x162: {  	[sflag:s2] =	ssyncadd.s32 $0xFFFFFC00  }
0x163: {  	_ =	swait.ge [sflag:s2], $0x400  }
0x164: {  	[sflag:s2] =	ssyncset.done $0x0  }
0x165: {  	[sflag:s2] =	ssyncadd.s32 $0xFFFFFC00  }
0x166: {  	_ =	swait.ge [sflag:s2], $0x400  }
0x167: {  	[sflag:s2] =	ssyncset.done $0x0  }
0x168: {  	[sflag:s2] =	ssyncadd.s32 $0xFFFFFC00  }
0x169: {  	_ =	swait.ge [sflag:s2], $0x400  }
0x16a: {  	[sflag:s2] =	ssyncset.done $0x0  }
0x16b: {  	s22 =	simm.s32 $0x6;
	[sflag:s2] =	ssyncadd.s32 $0xFFFFFC00  }
0x16c: {  	_ =	swait.ge [sflag:s22], $0x400  }
0x16d: {  	[sflag:s22] =	ssyncset.done $0x0  }
0x16e: {  	[sflag:s22] =	ssyncadd.s32 $0xFFFFFC00  }
0x16f: {  	_ =	swait.ge [sflag:s22], $0x400  }
0x170: {  	[sflag:s22] =	ssyncset.done $0x0  }
0x171: {  	[sflag:s22] =	ssyncadd.s32 $0xFFFFFC00  }
0x172: {  	_ =	swait.ge [sflag:s22], $0x400  }
0x173: {  	[sflag:s22] =	ssyncset.done $0x0  }
0x174: {  	[sflag:s22] =	ssyncadd.s32 $0xFFFFFC00  }
0x175: {  	_ =	swait.ge [sflag:s22], $0x400  }
0x176: {  	[sflag:s22] =	ssyncset.done $0x0  }
0x177: {  	s26 =	simm.s32 $0x7;
	[sflag:s22] =	ssyncadd.s32 $0xFFFFFC00  }
0x178: {  	_ =	swait.ge [sflag:s26], $0x400  }
0x179: {  	[sflag:s26] =	ssyncset.done $0x0  }
0x17a: {  	[sflag:s26] =	ssyncadd.s32 $0xFFFFFC00  }
0x17b: {  	_ =	swait.ge [sflag:s26], $0x400  }
0x17c: {  	[sflag:s26] =	ssyncset.done $0x0  }
0x17d: {  	[sflag:s26] =	ssyncadd.s32 $0xFFFFFC00  }
0x17e: {  	_ =	swait.ge [sflag:s26], $0x400  }
0x17f: {  	[sflag:s26] =	ssyncset.done $0x0  }
0x180: {  	[sflag:s26] =	ssyncadd.s32 $0xFFFFFC00  }
0x181: {  	_ =	swait.ge [sflag:s26], $0x400  }
0x182: {  	[sflag:s26] =	ssyncset.done $0x0  }
0x183: {  	s5 =	simm.s32 $0x8;
	[sflag:s26] =	ssyncadd.s32 $0xFFFFFC00  }
0x184: {  	_ =	swait.ge [sflag:s5], $0x400  }
0x185: {  	[sflag:s5] =	ssyncset.done $0x0  }
0x186: {  	[sflag:s5] =	ssyncadd.s32 $0xFFFFFC00  }
0x187: {  	_ =	swait.ge [sflag:s5], $0x400  }
0x188: {  	[sflag:s5] =	ssyncset.done $0x0  }
0x189: {  	[sflag:s5] =	ssyncadd.s32 $0xFFFFFC00  }
0x18a: {  	_ =	swait.ge [sflag:s5], $0x400  }
0x18b: {  	[sflag:s5] =	ssyncset.done $0x0  }
0x18c: {  	[sflag:s5] =	ssyncadd.s32 $0xFFFFFC00  }
0x18d: {  	_ =	swait.ge [sflag:s5], $0x400  }
0x18e: {  	s6 =	rddreg [dreg:$0x7]  }
0x18f: {  	s28 =	rddreg [dreg:$0x6];
	s6 =	sadd.s32 $0x1, s6  }
0x190: {  	p0 =	sne.s32 s6, s28  }
.Ltmp5:
0x191: {  	_ = 	snop;
	(pc) =	sbr.rel @p0 .LBB2_1-.Ltmp5, $3  }
0x192: {  	_ =	sdelay $0x1  }
0x193: {  	[sflag:s5] =	ssyncset.done $0x0  }
0x194: {  	[sflag:s5] =	ssyncadd.s32 $0xFFFFFC00  }
0x195: {  	_ =	sfence.sel $0x180000  }
0x196: {  	[bflag:$0x0] =	sbarrier.arrive $0xFFFF  }
0x197: {  	_ =	strace $0x90000047  }
0x198: {  	s0 =	stileid.u32;
	[bflag:$0x2] =	sbarrier.arrive $0xFFFF  }
0x199: {  	p0 =	sne.s32 s0, $0x0;
	s0 =	rddreg [dreg:$0x2]  }
0x19a: {  	s0 =	sadd.s32 @!p0 $0x100000, s0  }
0x19b: {  	[sflag:s0] =	ssyncadd.tile.s32 @!p0 $0x1;
	_ =	shalt  }
.Lfunc_end2:
_tile_overlayer_lowered:
.L_overlay_start_2:
0x19c: {  	(tag) =	ssettag $0x2  }
0x19d: {  	s0 =	rddreg [dreg:$0x0];
	s2 =	stileid.u32  }
0x19e: {  	s1 =	rddreg [dreg:$0x1];
	p0 =	sne.s32 s2, $0x0  }
0x19f: {  	s3 =	rddreg [dreg:$0x2];
	[bflag:$0x3] =	sbarrier.arrive $0xFFFF;
	s2 =	simm.s32 @!p0 $0x1C09  }
0x1a0: {  	[timem:s3], [sflag:s2] =	dma.local @!p0 [hbm:s0], s1  }
0x1a1: {  	s0 =	simm.s32 @!p0 $0x9  }
0x1a2: {  	_ =	swait.ge @!p0 [sflag:s0], s1  }
0x1a3: {  	s1 =	ssub.s32 @!p0 $0x0, s1;
	[sflag:s0] =	ssyncset.done @!p0 $0x0  }
0x1a4: {  	[sflag:s0] =	ssyncadd.s32 @!p0 s1  }
0x1a5: {  	[bflag:$0x3] =	sbarrier.arrive $0xFFFF  }
0x1a6: {  	_ =	shalt  }

</sc_bundles>
